<compile_context>
chip_gen: v7x
topology: tpu7x:2x2x1
jax: 0.10.2.dev20260603
libtpu: 0.0.44.dev20260713+nightly
codegen_flags: <defaults>
</compile_context>

<pallas_src>
import functools

import jax
import jax.numpy as jnp
from jax import lax
from jax.experimental import pallas as pl
from jax.experimental.pallas import tpu as pltpu
from jax.experimental.pallas import tpu_sc as plsc

N, L = 1024, 50
B = N * L
D = 128
N_BANDS = 8

_NC, _NS = 2, 16
_NW = _NC * _NS
_BPW = B // _NW
_HALF = 800
_CH = 80
_NFIRE = _HALF // _CH


def _fourier_w(n_bands, offset):
    steps = n_bands + offset + 1
    w = 2.0 ** jnp.linspace(-float(n_bands), float(offset), steps)
    return w.astype(jnp.float32)


_SC1, _SC3, _SC5, _SC7, _SC9 = (
    3.1415926, -5.16770808, 2.55005102, -0.59816166, 0.07744729)


def _sin_halfturns(s):
    k = jnp.round(s)
    r = s - k
    r2 = r * r
    p = _SC9
    p = p * r2 + _SC7
    p = p * r2 + _SC5
    p = p * r2 + _SC3
    p = p * r2 + _SC1
    v = p * r
    odd = (k.astype(jnp.int32) & 1) == 1
    return jnp.where(odd, -v, v)


def _make_sc_gather():
    mesh = plsc.VectorSubcoreMesh(core_axis_name="c", subcore_axis_name="s")

    @functools.partial(
        pl.kernel,
        mesh=mesh,
        out_type=(
            jax.ShapeDtypeStruct((B, D), jnp.float32),
            jax.ShapeDtypeStruct((B, D), jnp.float32),
            jax.ShapeDtypeStruct((B, D), jnp.float32),
        ),
        scratch_types=[
            pltpu.VMEM((_HALF,), jnp.int32),
            pltpu.VMEM((_HALF, D), jnp.float32),
            pltpu.SemaphoreType.DMA,
        ],
    )
    def sc_gather(i1, i2, i5, t1, t2, t5, o1, o2, o5, idx_v, rows_v, sem):
        wid = lax.axis_index("s") * _NC + lax.axis_index("c")
        base0 = wid * _BPW

        for ih, th, oh in ((i1, t1, o1), (i2, t2, o2), (i5, t5, o5)):
            def round_body(r, carry, ih=ih, th=th, oh=oh):
                base = base0 + r * _HALF
                pltpu.sync_copy(ih.at[pl.ds(base, _HALF)], idx_v)
                for j in range(_NFIRE):
                    pltpu.async_copy(
                        th.at[idx_v.at[pl.ds(j * _CH, _CH)]],
                        rows_v.at[pl.ds(j * _CH, _CH)],
                        sem,
                    )
                for j in range(_NFIRE):
                    pltpu.make_async_copy(
                        th.at[idx_v.at[pl.ds(j * _CH, _CH)]],
                        rows_v.at[pl.ds(j * _CH, _CH)],
                        sem,
                    ).wait()
                pltpu.sync_copy(rows_v, oh.at[pl.ds(base, _HALF)])
                return carry

            lax.fori_loop(0, _BPW // _HALF, round_body, 0)

    return sc_gather


_GRID = L


def _tc_body(x3, l3, x4, l4, x6, l6, wk, dy, g1, g2, g5,
             acol, bcol, ccol, scol, w3cat, w4cat, w6cat, b3, b4, b6, cdt,
             out_ref):
    f32 = jnp.float32
    dim0 = (((0,), (0,)), ((), ()))

    z3 = x3[0] - l3[0]
    z4 = x4[0] - l4[0]
    z6 = x6[0] - l6[0]
    a = acol[...] * z3 + bcol[...] * z4 + ccol[...] * z6 + scol[...]
    f = _sin_halfturns(a)
    e3 = lax.dot_general(f, w3cat[...], dim0, preferred_element_type=f32) + b3[...]
    e4 = lax.dot_general(f, w4cat[...], dim0, preferred_element_type=f32) + b4[...]
    e6 = lax.dot_general(f, w6cat[...], dim0, preferred_element_type=f32) + b6[...]

    rows = lax.broadcasted_iota(jnp.int32, (128, N), 0)
    oh = (rows == wk[0]).astype(f32) + (rows == dy[0] + 64).astype(f32)
    e6 += lax.dot_general(oh, cdt[...], dim0, preferred_element_type=f32)

    out_ref[0, 0, :, :] = g1[...]
    out_ref[0, 1, :, :] = g2[...]
    out_ref[0, 2, :, :] = e3
    out_ref[0, 3, :, :] = e4
    out_ref[0, 4, :, :] = g5[...]
    out_ref[0, 5, :, :] = e6


def kernel(f1_lookup, f2_lookup, f3_content, f3_lookup, f4_content, f4_lookup,
           f5_lookup, f6_time, f6_lookup, f6_week, f6_day,
           emb1, emb2, W3, b3, W4, b4, emb5, W6, b6, week_tab, day_tab):
    i1 = f1_lookup.T.reshape(B).astype(jnp.int32)
    i2 = f2_lookup.T.reshape(B).astype(jnp.int32)
    i5 = f5_lookup.T.reshape(B).astype(jnp.int32)

    g1, g2, g5 = _make_sc_gather()(i1, i2, i5, emb1, emb2, emb5)

    wc = _fourier_w(N_BANDS, 3)
    wt = _fourier_w(N_BANDS, 0)
    acol = jnp.zeros((128, 1), jnp.float32).at[0:12, 0].set(wc).at[33:45, 0].set(wc)
    bcol = jnp.zeros((128, 1), jnp.float32).at[12:24, 0].set(wc).at[45:57, 0].set(wc)
    ccol = jnp.zeros((128, 1), jnp.float32).at[24:33, 0].set(wt).at[57:66, 0].set(wt)
    scol = jnp.zeros((128, 1), jnp.float32).at[33:66, 0].set(0.5)
    zw = jnp.zeros((128, D), jnp.float32)
    w3cat = zw.at[0:12].set(W3[:12]).at[33:45].set(W3[12:])
    w4cat = zw.at[12:24].set(W4[:12]).at[45:57].set(W4[12:])
    w6cat = zw.at[24:33].set(W6[:9]).at[57:66].set(W6[9:])
    cdt = zw.at[:57].set(week_tab).at[64:75].set(day_tab)

    col_spec = pl.BlockSpec((1, 1, N), lambda i: (i, 0, 0))
    row_spec = pl.BlockSpec((N, D), lambda i: (i, 0))
    w_spec = lambda r: pl.BlockSpec((r, 128), lambda i: (0, 0))
    cw_spec = pl.BlockSpec((128, 1), lambda i: (0, 0))
    lmaj = lambda x, dt: x.T.reshape(L, 1, N).astype(dt)

    out = pl.pallas_call(
        _tc_body,
        grid=(_GRID,),
        in_specs=[col_spec] * 8 + [row_spec] * 3
        + [cw_spec] * 4 + [w_spec(128)] * 3 + [w_spec(1)] * 3 + [w_spec(128)],
        out_specs=pl.BlockSpec((1, 6, N, D), lambda i: (i, 0, 0, 0)),
        out_shape=jax.ShapeDtypeStruct((L, 6, N, D), jnp.float32),
    )(
        lmaj(f3_content, jnp.float32), lmaj(f3_lookup, jnp.float32),
        lmaj(f4_content, jnp.float32), lmaj(f4_lookup, jnp.float32),
        lmaj(f6_time, jnp.float32), lmaj(f6_lookup, jnp.float32),
        lmaj(f6_week, jnp.int32), lmaj(f6_day, jnp.int32),
        g1, g2, g5,
        acol, bcol, ccol, scol, w3cat, w4cat, w6cat,
        b3.reshape(1, D), b4.reshape(1, D), b6.reshape(1, D), cdt,
    )
    return jnp.transpose(out, (2, 0, 1, 3))

# --- scband reference (transcript-rebuilt; emitter-appended) ---
"""Pipeline reference for scband-modular-field-embedding-system-78331613544522 (READ-ONLY COPY).

The authoritative reference and input builder live on the scoring server;
editing this copy changes nothing except your own understanding.
"""

import math
import jax, jax.numpy as jnp
import numpy as np

N, L = 1024, 50
D = 128
N_BANDS = 8
TOK = 4
V_DISC = 100000 + TOK
V_ENT = 2048 + TOK
V_WEEK = 53 + TOK
V_DAY = 7 + TOK


def _fourier_weights(n_bands, offset):
    steps = n_bands + offset + 1
    w = 2.0 ** jnp.linspace(-float(n_bands), float(offset), steps)
    return (w * math.pi).reshape(1, -1).astype(jnp.float32)


def setup_inputs(seed: int = 0) -> dict:
    key = jax.random.key(seed)
    ks = jax.random.split(key, 24)
    inp = {}
    # forward args
    inp['f1_lookup'] = jax.random.randint(ks[0], (N, L), 0, V_DISC)
    inp['f2_lookup'] = jax.random.randint(ks[1], (N, L), 0, V_DISC)
    inp['f3_content'] = jax.random.uniform(ks[2], (N, L), dtype=jnp.float32) * 0.999
    inp['f3_lookup'] = jnp.zeros((N, L), jnp.float32)
    inp['f4_content'] = jax.random.uniform(ks[3], (N, L), dtype=jnp.float32) * 0.999
    inp['f4_lookup'] = jnp.zeros((N, L), jnp.float32)
    inp['f5_lookup'] = jax.random.randint(ks[4], (N, L), 0, V_ENT)
    inp['f6_time'] = jax.random.uniform(ks[5], (N, L), dtype=jnp.float32) * 0.999
    inp['f6_lookup'] = jnp.zeros((N, L), jnp.float32)
    inp['f6_week'] = jax.random.randint(ks[6], (N, L), 0, V_WEEK)
    inp['f6_day'] = jax.random.randint(ks[7], (N, L), 0, V_DAY)
    # learned parameters
    inp['emb1'] = jax.random.normal(ks[8], (V_DISC, D), dtype=jnp.float32) * 0.02
    inp['emb2'] = jax.random.normal(ks[9], (V_DISC, D), dtype=jnp.float32) * 0.02
    inp['W3'] = jax.random.normal(ks[10], (2 * (N_BANDS + 3 + 1), D), dtype=jnp.float32) * 0.05
    inp['b3'] = jnp.zeros((D,), jnp.float32)
    inp['W4'] = jax.random.normal(ks[11], (2 * (N_BANDS + 3 + 1), D), dtype=jnp.float32) * 0.05
    inp['b4'] = jnp.zeros((D,), jnp.float32)
    inp['emb5'] = jax.random.normal(ks[12], (V_ENT, D), dtype=jnp.float32) * 0.02
    inp['W6'] = jax.random.normal(ks[13], (2 * (N_BANDS + 0 + 1), D), dtype=jnp.float32) * 0.05
    inp['b6'] = jnp.zeros((D,), jnp.float32)
    inp['week_tab'] = jax.random.normal(ks[14], (V_WEEK, D), dtype=jnp.float32) * 0.02
    inp['day_tab'] = jax.random.normal(ks[15], (V_DAY, D), dtype=jnp.float32) * 0.02
    return inp


def _cont_embed(values, indicators, weights, W, b):
    n, l = values.shape
    weighted = (values - indicators).reshape(n * l, 1) * weights
    fourier = jnp.concatenate([jnp.sin(weighted), jnp.cos(weighted)], axis=1)
    return (fourier @ W + b).reshape(n, l, -1)


def reference(f1_lookup, f2_lookup, f3_content, f3_lookup, f4_content, f4_lookup,
              f5_lookup, f6_time, f6_lookup, f6_week, f6_day,
              emb1, emb2, W3, b3, W4, b4, emb5, W6, b6, week_tab, day_tab):
    wc = _fourier_weights(N_BANDS, 3)
    wt = _fourier_weights(N_BANDS, 0)
    e1 = jnp.take(emb1, f1_lookup, axis=0)
    e2 = jnp.take(emb2, f2_lookup, axis=0)
    e3 = _cont_embed(f3_content, f3_lookup, wc, W3, b3)
    e4 = _cont_embed(f4_content, f4_lookup, wc, W4, b4)
    e5 = jnp.take(emb5, f5_lookup, axis=0)
    e6 = _cont_embed(f6_time, f6_lookup, wt, W6, b6)
    e6 = e6 + jnp.take(week_tab, f6_week, axis=0) + jnp.take(day_tab, f6_day, axis=0)
    stacked = jnp.stack([e1, e2, e3, e4, e5, e6], axis=-1)  # [N, L, F, C]
    return jnp.transpose(stacked, (0, 1, 3, 2))  # [N, L, C, F]

if __name__ == "__main__":
    import jax
    _d = setup_inputs()
    print(jax.jit(kernel)(*tuple(_d.values())))

</pallas_src>

<mosaic_0001>
#map = affine_map<(d0, d1) -> (0)>
#map1 = affine_map<(d0, d1) -> (0, 0)>
module attributes {stable_mosaic.version = 14 : i64} {
  func.func @sc_gather(%arg0: i32, %arg1: i32, %arg2: memref<51200xi32, #tpu.memory_space<hbm>>, %arg3: memref<51200xi32, #tpu.memory_space<hbm>>, %arg4: memref<51200xi32, #tpu.memory_space<hbm>>, %arg5: memref<100004x128xf32, #tpu.memory_space<hbm>>, %arg6: memref<100004x128xf32, #tpu.memory_space<hbm>>, %arg7: memref<2052x128xf32, #tpu.memory_space<hbm>>, %arg8: memref<51200x128xf32, #tpu.memory_space<hbm>>, %arg9: memref<51200x128xf32, #tpu.memory_space<hbm>>, %arg10: memref<51200x128xf32, #tpu.memory_space<hbm>>, %arg11: memref<800xi32, #tpu.memory_space<vmem>>, %arg12: memref<800x128xf32, #tpu.memory_space<vmem>>, %arg13: memref<!tpu.dma_semaphore, #tpu.memory_space<semaphore_mem>>) attributes {dimension_semantics = [#tpu.dimension_semantics<core_parallel>, #tpu.dimension_semantics<subcore_parallel>], iteration_bounds = array<i64: 2, 16>, scalar_prefetch = 0 : i64, scratch_operands = 3 : i64, tpu.core_type = #tpu.core_type<sc_vector_subcore>, window_params = [{transform_indices = #map}, {transform_indices = #map}, {transform_indices = #map}, {transform_indices = #map1}, {transform_indices = #map1}, {transform_indices = #map1}, {transform_indices = #map1}, {transform_indices = #map1}, {transform_indices = #map1}]} {
    %mul3A = arith.constant 2 : i32
    %mul3A_0 = arith.muli %arg1, %mul3A : i32
    %add3A = arith.addi %mul3A_0, %arg0 : i32
    %mul3A_1 = arith.constant 1600 : i32
    %mul3A_2 = arith.muli %add3A, %mul3A_1 : i32
    %scan3A = arith.constant 0 : i32
    %scan3A_3 = arith.constant 0 : i32
    %scan3A_4 = arith.constant 2 : i32
    %scan3A_5 = arith.addi %scan3A_3, %scan3A_4 : i32
    %scan3A_6 = arith.constant 1 : i32
    scf.for %scan3A_20 = %scan3A_3 to %scan3A_5 step %scan3A_6  : i32 {
      %mul3A_21 = arith.constant 800 : i32
      %mul3A_22 = arith.muli %scan3A_20, %mul3A_21 : i32
      %add3A_23 = arith.addi %mul3A_2, %mul3A_22 : i32
      "tpu.region"() ({
        %run_scoped3A = tpu.sem_alloc : memref<!tpu.dma_semaphore, #tpu.memory_space<semaphore_mem>>
        %dma_start3A_182 = tpu.memref_slice %arg2[%add3A_23] : memref<51200xi32, #tpu.memory_space<hbm>> -> memref<800xi32, #tpu.memory_space<hbm>>
        %dma_start3A_183 = tpu.memref_slice %arg2[%add3A_23] : memref<51200xi32, #tpu.memory_space<hbm>> -> memref<800xi32, #tpu.memory_space<hbm>>
        tpu.enqueue_dma source(%dma_start3A_183 : memref<800xi32, #tpu.memory_space<hbm>>) target(%arg11 : memref<800xi32, #tpu.memory_space<vmem>>) target_semaphore(%run_scoped3A : memref<!tpu.dma_semaphore, #tpu.memory_space<semaphore_mem>>)
        %dma_wait3A_184 = tpu.memref_slice %arg2[%add3A_23] : memref<51200xi32, #tpu.memory_space<hbm>> -> memref<800xi32, #tpu.memory_space<hbm>>
        %dma_wait3A_185 = tpu.memref_slice %arg2[%add3A_23] : memref<51200xi32, #tpu.memory_space<hbm>> -> memref<800xi32, #tpu.memory_space<hbm>>
        tpu.wait_dma2 semaphore(%run_scoped3A : memref<!tpu.dma_semaphore, #tpu.memory_space<semaphore_mem>>) src(%dma_wait3A_185 : memref<800xi32, #tpu.memory_space<hbm>>) dst(%arg11 : memref<800xi32, #tpu.memory_space<vmem>>)
        tpu.yield
      }) : () -> ()
      %dma_start3A = arith.constant 0 : i32
      %dma_start3A_24 = arith.constant 0 : i32
      %dma_start3A_25 = tpu.memref_slice %arg12[%dma_start3A, %dma_start3A_24] : memref<800x128xf32, #tpu.memory_space<vmem>> -> memref<80x128xf32, #tpu.memory_space<vmem>>
      %dma_start3A_26 = arith.constant 0 : i32
      %dma_start3A_27 = tpu.memref_slice %arg11[%dma_start3A_26] : memref<800xi32, #tpu.memory_space<vmem>> -> memref<80xi32, #tpu.memory_space<vmem>>
      %dma_start3A_28 = arith.constant 0 : i32
      %dma_start3A_29 = arith.constant 0 : i32
      %dma_start3A_30 = tpu.memref_slice %arg5[%dma_start3A_28, %dma_start3A_29] : memref<100004x128xf32, #tpu.memory_space<hbm>> -> memref<100004x128xf32, #tpu.memory_space<hbm>>
      tpu.enqueue_indirect_dma source(%dma_start3A_30 : memref<100004x128xf32, #tpu.memory_space<hbm>>) target(%dma_start3A_25 : memref<80x128xf32, #tpu.memory_space<vmem>>) offsets(%dma_start3A_27 : memref<80xi32, #tpu.memory_space<vmem>>) semaphore(%arg13 : memref<!tpu.dma_semaphore, #tpu.memory_space<semaphore_mem>>)
      %dma_start3A_31 = arith.constant 80 : i32
      %dma_start3A_32 = arith.constant 0 : i32
      %dma_start3A_33 = tpu.memref_slice %arg12[%dma_start3A_31, %dma_start3A_32] : memref<800x128xf32, #tpu.memory_space<vmem>> -> memref<80x128xf32, #tpu.memory_space<vmem>>
      %dma_start3A_34 = arith.constant 80 : i32
      %dma_start3A_35 = tpu.memref_slice %arg11[%dma_start3A_34] : memref<800xi32, #tpu.memory_space<vmem>> -> memref<80xi32, #tpu.memory_space<vmem>>
      %dma_start3A_36 = arith.constant 0 : i32
      %dma_start3A_37 = arith.constant 0 : i32
      %dma_start3A_38 = tpu.memref_slice %arg5[%dma_start3A_36, %dma_start3A_37] : memref<100004x128xf32, #tpu.memory_space<hbm>> -> memref<100004x128xf32, #tpu.memory_space<hbm>>
      tpu.enqueue_indirect_dma source(%dma_start3A_38 : memref<100004x128xf32, #tpu.memory_space<hbm>>) target(%dma_start3A_33 : memref<80x128xf32, #tpu.memory_space<vmem>>) offsets(%dma_start3A_35 : memref<80xi32, #tpu.memory_space<vmem>>) semaphore(%arg13 : memref<!tpu.dma_semaphore, #tpu.memory_space<semaphore_mem>>)
      %dma_start3A_39 = arith.constant 160 : i32
      %dma_start3A_40 = arith.constant 0 : i32
      %dma_start3A_41 = tpu.memref_slice %arg12[%dma_start3A_39, %dma_start3A_40] : memref<800x128xf32, #tpu.memory_space<vmem>> -> memref<80x128xf32, #tpu.memory_space<vmem>>
      %dma_start3A_42 = arith.constant 160 : i32
      %dma_start3A_43 = tpu.memref_slice %arg11[%dma_start3A_42] : memref<800xi32, #tpu.memory_space<vmem>> -> memref<80xi32, #tpu.memory_space<vmem>>
      %dma_start3A_44 = arith.constant 0 : i32
      %dma_start3A_45 = arith.constant 0 : i32
      %dma_start3A_46 = tpu.memref_slice %arg5[%dma_start3A_44, %dma_start3A_45] : memref<100004x128xf32, #tpu.memory_space<hbm>> -> memref<100004x128xf32, #tpu.memory_space<hbm>>
      tpu.enqueue_indirect_dma source(%dma_start3A_46 : memref<100004x128xf32, #tpu.memory_space<hbm>>) target(%dma_start3A_41 : memref<80x128xf32, #tpu.memory_space<vmem>>) offsets(%dma_start3A_43 : memref<80xi32, #tpu.memory_space<vmem>>) semaphore(%arg13 : memref<!tpu.dma_semaphore, #tpu.memory_space<semaphore_mem>>)
      %dma_start3A_47 = arith.constant 240 : i32
      %dma_start3A_48 = arith.constant 0 : i32
      %dma_start3A_49 = tpu.memref_slice %arg12[%dma_start3A_47, %dma_start3A_48] : memref<800x128xf32, #tpu.memory_space<vmem>> -> memref<80x128xf32, #tpu.memory_space<vmem>>
      %dma_start3A_50 = arith.constant 240 : i32
      %dma_start3A_51 = tpu.memref_slice %arg11[%dma_start3A_50] : memref<800xi32, #tpu.memory_space<vmem>> -> memref<80xi32, #tpu.memory_space<vmem>>
      %dma_start3A_52 = arith.constant 0 : i32
      %dma_start3A_53 = arith.constant 0 : i32
      %dma_start3A_54 = tpu.memref_slice %arg5[%dma_start3A_52, %dma_start3A_53] : memref<100004x128xf32, #tpu.memory_space<hbm>> -> memref<100004x128xf32, #tpu.memory_space<hbm>>
      tpu.enqueue_indirect_dma source(%dma_start3A_54 : memref<100004x128xf32, #tpu.memory_space<hbm>>) target(%dma_start3A_49 : memref<80x128xf32, #tpu.memory_space<vmem>>) offsets(%dma_start3A_51 : memref<80xi32, #tpu.memory_space<vmem>>) semaphore(%arg13 : memref<!tpu.dma_semaphore, #tpu.memory_space<semaphore_mem>>)
      %dma_start3A_55 = arith.constant 320 : i32
      %dma_start3A_56 = arith.constant 0 : i32
      %dma_start3A_57 = tpu.memref_slice %arg12[%dma_start3A_55, %dma_start3A_56] : memref<800x128xf32, #tpu.memory_space<vmem>> -> memref<80x128xf32, #tpu.memory_space<vmem>>
      %dma_start3A_58 = arith.constant 320 : i32
      %dma_start3A_59 = tpu.memref_slice %arg11[%dma_start3A_58] : memref<800xi32, #tpu.memory_space<vmem>> -> memref<80xi32, #tpu.memory_space<vmem>>
      %dma_start3A_60 = arith.constant 0 : i32
      %dma_start3A_61 = arith.constant 0 : i32
      %dma_start3A_62 = tpu.memref_slice %arg5[%dma_start3A_60, %dma_start3A_61] : memref<100004x128xf32, #tpu.memory_space<hbm>> -> memref<100004x128xf32, #tpu.memory_space<hbm>>
      tpu.enqueue_indirect_dma source(%dma_start3A_62 : memref<100004x128xf32, #tpu.memory_space<hbm>>) target(%dma_start3A_57 : memref<80x128xf32, #tpu.memory_space<vmem>>) offsets(%dma_start3A_59 : memref<80xi32, #tpu.memory_space<vmem>>) semaphore(%arg13 : memref<!tpu.dma_semaphore, #tpu.memory_space<semaphore_mem>>)
      %dma_start3A_63 = arith.constant 400 : i32
      %dma_start3A_64 = arith.constant 0 : i32
      %dma_start3A_65 = tpu.memref_slice %arg12[%dma_start3A_63, %dma_start3A_64] : memref<800x128xf32, #tpu.memory_space<vmem>> -> memref<80x128xf32, #tpu.memory_space<vmem>>
      %dma_start3A_66 = arith.constant 400 : i32
      %dma_start3A_67 = tpu.memref_slice %arg11[%dma_start3A_66] : memref<800xi32, #tpu.memory_space<vmem>> -> memref<80xi32, #tpu.memory_space<vmem>>
      %dma_start3A_68 = arith.constant 0 : i32
      %dma_start3A_69 = arith.constant 0 : i32
      %dma_start3A_70 = tpu.memref_slice %arg5[%dma_start3A_68, %dma_start3A_69] : memref<100004x128xf32, #tpu.memory_space<hbm>> -> memref<100004x128xf32, #tpu.memory_space<hbm>>
      tpu.enqueue_indirect_dma source(%dma_start3A_70 : memref<100004x128xf32, #tpu.memory_space<hbm>>) target(%dma_start3A_65 : memref<80x128xf32, #tpu.memory_space<vmem>>) offsets(%dma_start3A_67 : memref<80xi32, #tpu.memory_space<vmem>>) semaphore(%arg13 : memref<!tpu.dma_semaphore, #tpu.memory_space<semaphore_mem>>)
      %dma_start3A_71 = arith.constant 480 : i32
      %dma_start3A_72 = arith.constant 0 : i32
      %dma_start3A_73 = tpu.memref_slice %arg12[%dma_start3A_71, %dma_start3A_72] : memref<800x128xf32, #tpu.memory_space<vmem>> -> memref<80x128xf32, #tpu.memory_space<vmem>>
      %dma_start3A_74 = arith.constant 480 : i32
      %dma_start3A_75 = tpu.memref_slice %arg11[%dma_start3A_74] : memref<800xi32, #tpu.memory_space<vmem>> -> memref<80xi32, #tpu.memory_space<vmem>>
      %dma_start3A_76 = arith.constant 0 : i32
      %dma_start3A_77 = arith.constant 0 : i32
      %dma_start3A_78 = tpu.memref_slice %arg5[%dma_start3A_76, %dma_start3A_77] : memref<100004x128xf32, #tpu.memory_space<hbm>> -> memref<100004x128xf32, #tpu.memory_space<hbm>>
      tpu.enqueue_indirect_dma source(%dma_start3A_78 : memref<100004x128xf32, #tpu.memory_space<hbm>>) target(%dma_start3A_73 : memref<80x128xf32, #tpu.memory_space<vmem>>) offsets(%dma_start3A_75 : memref<80xi32, #tpu.memory_space<vmem>>) semaphore(%arg13 : memref<!tpu.dma_semaphore, #tpu.memory_space<semaphore_mem>>)
      %dma_start3A_79 = arith.constant 560 : i32
      %dma_start3A_80 = arith.constant 0 : i32
      %dma_start3A_81 = tpu.memref_slice %arg12[%dma_start3A_79, %dma_start3A_80] : memref<800x128xf32, #tpu.memory_space<vmem>> -> memref<80x128xf32, #tpu.memory_space<vmem>>
      %dma_start3A_82 = arith.constant 560 : i32
      %dma_start3A_83 = tpu.memref_slice %arg11[%dma_start3A_82] : memref<800xi32, #tpu.memory_space<vmem>> -> memref<80xi32, #tpu.memory_space<vmem>>
      %dma_start3A_84 = arith.constant 0 : i32
      %dma_start3A_85 = arith.constant 0 : i32
      %dma_start3A_86 = tpu.memref_slice %arg5[%dma_start3A_84, %dma_start3A_85] : memref<100004x128xf32, #tpu.memory_space<hbm>> -> memref<100004x128xf32, #tpu.memory_space<hbm>>
      tpu.enqueue_indirect_dma source(%dma_start3A_86 : memref<100004x128xf32, #tpu.memory_space<hbm>>) target(%dma_start3A_81 : memref<80x128xf32, #tpu.memory_space<vmem>>) offsets(%dma_start3A_83 : memref<80xi32, #tpu.memory_space<vmem>>) semaphore(%arg13 : memref<!tpu.dma_semaphore, #tpu.memory_space<semaphore_mem>>)
      %dma_start3A_87 = arith.constant 640 : i32
      %dma_start3A_88 = arith.constant 0 : i32
      %dma_start3A_89 = tpu.memref_slice %arg12[%dma_start3A_87, %dma_start3A_88] : memref<800x128xf32, #tpu.memory_space<vmem>> -> memref<80x128xf32, #tpu.memory_space<vmem>>
      %dma_start3A_90 = arith.constant 640 : i32
      %dma_start3A_91 = tpu.memref_slice %arg11[%dma_start3A_90] : memref<800xi32, #tpu.memory_space<vmem>> -> memref<80xi32, #tpu.memory_space<vmem>>
      %dma_start3A_92 = arith.constant 0 : i32
      %dma_start3A_93 = arith.constant 0 : i32
      %dma_start3A_94 = tpu.memref_slice %arg5[%dma_start3A_92, %dma_start3A_93] : memref<100004x128xf32, #tpu.memory_space<hbm>> -> memref<100004x128xf32, #tpu.memory_space<hbm>>
      tpu.enqueue_indirect_dma source(%dma_start3A_94 : memref<100004x128xf32, #tpu.memory_space<hbm>>) target(%dma_start3A_89 : memref<80x128xf32, #tpu.memory_space<vmem>>) offsets(%dma_start3A_91 : memref<80xi32, #tpu.memory_space<vmem>>) semaphore(%arg13 : memref<!tpu.dma_semaphore, #tpu.memory_space<semaphore_mem>>)
      %dma_start3A_95 = arith.constant 720 : i32
      %dma_start3A_96 = arith.constant 0 : i32
      %dma_start3A_97 = tpu.memref_slice %arg12[%dma_start3A_95, %dma_start3A_96] : memref<800x128xf32, #tpu.memory_space<vmem>> -> memref<80x128xf32, #tpu.memory_space<vmem>>
      %dma_start3A_98 = arith.constant 720 : i32
      %dma_start3A_99 = tpu.memref_slice %arg11[%dma_start3A_98] : memref<800xi32, #tpu.memory_space<vmem>> -> memref<80xi32, #tpu.memory_space<vmem>>
      %dma_start3A_100 = arith.constant 0 : i32
      %dma_start3A_101 = arith.constant 0 : i32
      %dma_start3A_102 = tpu.memref_slice %arg5[%dma_start3A_100, %dma_start3A_101] : memref<100004x128xf32, #tpu.memory_space<hbm>> -> memref<100004x128xf32, #tpu.memory_space<hbm>>
      tpu.enqueue_indirect_dma source(%dma_start3A_102 : memref<100004x128xf32, #tpu.memory_space<hbm>>) target(%dma_start3A_97 : memref<80x128xf32, #tpu.memory_space<vmem>>) offsets(%dma_start3A_99 : memref<80xi32, #tpu.memory_space<vmem>>) semaphore(%arg13 : memref<!tpu.dma_semaphore, #tpu.memory_space<semaphore_mem>>)
      %dma_wait3A = arith.constant 0 : i32
      %dma_wait3A_103 = arith.constant 0 : i32
      %dma_wait3A_104 = tpu.memref_slice %arg12[%dma_wait3A, %dma_wait3A_103] : memref<800x128xf32, #tpu.memory_space<vmem>> -> memref<80x128xf32, #tpu.memory_space<vmem>>
      %dma_wait3A_105 = arith.constant 0 : i32
      %dma_wait3A_106 = tpu.memref_slice %arg11[%dma_wait3A_105] : memref<800xi32, #tpu.memory_space<vmem>> -> memref<80xi32, #tpu.memory_space<vmem>>
      %dma_wait3A_107 = arith.constant 0 : i32
      %dma_wait3A_108 = arith.constant 0 : i32
      %dma_wait3A_109 = tpu.memref_slice %arg5[%dma_wait3A_107, %dma_wait3A_108] : memref<100004x128xf32, #tpu.memory_space<hbm>> -> memref<100004x128xf32, #tpu.memory_space<hbm>>
      tpu.wait_indirect_dma semaphore(%arg13 : memref<!tpu.dma_semaphore, #tpu.memory_space<semaphore_mem>>) src(%dma_wait3A_109 : memref<100004x128xf32, #tpu.memory_space<hbm>>) dst(%dma_wait3A_104 : memref<80x128xf32, #tpu.memory_space<vmem>>)
      %dma_wait3A_110 = arith.constant 80 : i32
      %dma_wait3A_111 = arith.constant 0 : i32
      %dma_wait3A_112 = tpu.memref_slice %arg12[%dma_wait3A_110, %dma_wait3A_111] : memref<800x128xf32, #tpu.memory_space<vmem>> -> memref<80x128xf32, #tpu.memory_space<vmem>>
      %dma_wait3A_113 = arith.constant 80 : i32
      %dma_wait3A_114 = tpu.memref_slice %arg11[%dma_wait3A_113] : memref<800xi32, #tpu.memory_space<vmem>> -> memref<80xi32, #tpu.memory_space<vmem>>
      %dma_wait3A_115 = arith.constant 0 : i32
      %dma_wait3A_116 = arith.constant 0 : i32
      %dma_wait3A_117 = tpu.memref_slice %arg5[%dma_wait3A_115, %dma_wait3A_116] : memref<100004x128xf32, #tpu.memory_space<hbm>> -> memref<100004x128xf32, #tpu.memory_space<hbm>>
      tpu.wait_indirect_dma semaphore(%arg13 : memref<!tpu.dma_semaphore, #tpu.memory_space<semaphore_mem>>) src(%dma_wait3A_117 : memref<100004x128xf32, #tpu.memory_space<hbm>>) dst(%dma_wait3A_112 : memref<80x128xf32, #tpu.memory_space<vmem>>)
      %dma_wait3A_118 = arith.constant 160 : i32
      %dma_wait3A_119 = arith.constant 0 : i32
      %dma_wait3A_120 = tpu.memref_slice %arg12[%dma_wait3A_118, %dma_wait3A_119] : memref<800x128xf32, #tpu.memory_space<vmem>> -> memref<80x128xf32, #tpu.memory_space<vmem>>
      %dma_wait3A_121 = arith.constant 160 : i32
      %dma_wait3A_122 = tpu.memref_slice %arg11[%dma_wait3A_121] : memref<800xi32, #tpu.memory_space<vmem>> -> memref<80xi32, #tpu.memory_space<vmem>>
      %dma_wait3A_123 = arith.constant 0 : i32
      %dma_wait3A_124 = arith.constant 0 : i32
      %dma_wait3A_125 = tpu.memref_slice %arg5[%dma_wait3A_123, %dma_wait3A_124] : memref<100004x128xf32, #tpu.memory_space<hbm>> -> memref<100004x128xf32, #tpu.memory_space<hbm>>
      tpu.wait_indirect_dma semaphore(%arg13 : memref<!tpu.dma_semaphore, #tpu.memory_space<semaphore_mem>>) src(%dma_wait3A_125 : memref<100004x128xf32, #tpu.memory_space<hbm>>) dst(%dma_wait3A_120 : memref<80x128xf32, #tpu.memory_space<vmem>>)
      %dma_wait3A_126 = arith.constant 240 : i32
      %dma_wait3A_127 = arith.constant 0 : i32
      %dma_wait3A_128 = tpu.memref_slice %arg12[%dma_wait3A_126, %dma_wait3A_127] : memref<800x128xf32, #tpu.memory_space<vmem>> -> memref<80x128xf32, #tpu.memory_space<vmem>>
      %dma_wait3A_129 = arith.constant 240 : i32
      %dma_wait3A_130 = tpu.memref_slice %arg11[%dma_wait3A_129] : memref<800xi32, #tpu.memory_space<vmem>> -> memref<80xi32, #tpu.memory_space<vmem>>
      %dma_wait3A_131 = arith.constant 0 : i32
      %dma_wait3A_132 = arith.constant 0 : i32
      %dma_wait3A_133 = tpu.memref_slice %arg5[%dma_wait3A_131, %dma_wait3A_132] : memref<100004x128xf32, #tpu.memory_space<hbm>> -> memref<100004x128xf32, #tpu.memory_space<hbm>>
      tpu.wait_indirect_dma semaphore(%arg13 : memref<!tpu.dma_semaphore, #tpu.memory_space<semaphore_mem>>) src(%dma_wait3A_133 : memref<100004x128xf32, #tpu.memory_space<hbm>>) dst(%dma_wait3A_128 : memref<80x128xf32, #tpu.memory_space<vmem>>)
      %dma_wait3A_134 = arith.constant 320 : i32
      %dma_wait3A_135 = arith.constant 0 : i32
      %dma_wait3A_136 = tpu.memref_slice %arg12[%dma_wait3A_134, %dma_wait3A_135] : memref<800x128xf32, #tpu.memory_space<vmem>> -> memref<80x128xf32, #tpu.memory_space<vmem>>
      %dma_wait3A_137 = arith.constant 320 : i32
      %dma_wait3A_138 = tpu.memref_slice %arg11[%dma_wait3A_137] : memref<800xi32, #tpu.memory_space<vmem>> -> memref<80xi32, #tpu.memory_space<vmem>>
      %dma_wait3A_139 = arith.constant 0 : i32
      %dma_wait3A_140 = arith.constant 0 : i32
      %dma_wait3A_141 = tpu.memref_slice %arg5[%dma_wait3A_139, %dma_wait3A_140] : memref<100004x128xf32, #tpu.memory_space<hbm>> -> memref<100004x128xf32, #tpu.memory_space<hbm>>
      tpu.wait_indirect_dma semaphore(%arg13 : memref<!tpu.dma_semaphore, #tpu.memory_space<semaphore_mem>>) src(%dma_wait3A_141 : memref<100004x128xf32, #tpu.memory_space<hbm>>) dst(%dma_wait3A_136 : memref<80x128xf32, #tpu.memory_space<vmem>>)
      %dma_wait3A_142 = arith.constant 400 : i32
      %dma_wait3A_143 = arith.constant 0 : i32
      %dma_wait3A_144 = tpu.memref_slice %arg12[%dma_wait3A_142, %dma_wait3A_143] : memref<800x128xf32, #tpu.memory_space<vmem>> -> memref<80x128xf32, #tpu.memory_space<vmem>>
      %dma_wait3A_145 = arith.constant 400 : i32
      %dma_wait3A_146 = tpu.memref_slice %arg11[%dma_wait3A_145] : memref<800xi32, #tpu.memory_space<vmem>> -> memref<80xi32, #tpu.memory_space<vmem>>
      %dma_wait3A_147 = arith.constant 0 : i32
      %dma_wait3A_148 = arith.constant 0 : i32
      %dma_wait3A_149 = tpu.memref_slice %arg5[%dma_wait3A_147, %dma_wait3A_148] : memref<100004x128xf32, #tpu.memory_space<hbm>> -> memref<100004x128xf32, #tpu.memory_space<hbm>>
      tpu.wait_indirect_dma semaphore(%arg13 : memref<!tpu.dma_semaphore, #tpu.memory_space<semaphore_mem>>) src(%dma_wait3A_149 : memref<100004x128xf32, #tpu.memory_space<hbm>>) dst(%dma_wait3A_144 : memref<80x128xf32, #tpu.memory_space<vmem>>)
      %dma_wait3A_150 = arith.constant 480 : i32
      %dma_wait3A_151 = arith.constant 0 : i32
      %dma_wait3A_152 = tpu.memref_slice %arg12[%dma_wait3A_150, %dma_wait3A_151] : memref<800x128xf32, #tpu.memory_space<vmem>> -> memref<80x128xf32, #tpu.memory_space<vmem>>
      %dma_wait3A_153 = arith.constant 480 : i32
      %dma_wait3A_154 = tpu.memref_slice %arg11[%dma_wait3A_153] : memref<800xi32, #tpu.memory_space<vmem>> -> memref<80xi32, #tpu.memory_space<vmem>>
      %dma_wait3A_155 = arith.constant 0 : i32
      %dma_wait3A_156 = arith.constant 0 : i32
      %dma_wait3A_157 = tpu.memref_slice %arg5[%dma_wait3A_155, %dma_wait3A_156] : memref<100004x128xf32, #tpu.memory_space<hbm>> -> memref<100004x128xf32, #tpu.memory_space<hbm>>
      tpu.wait_indirect_dma semaphore(%arg13 : memref<!tpu.dma_semaphore, #tpu.memory_space<semaphore_mem>>) src(%dma_wait3A_157 : memref<100004x128xf32, #tpu.memory_space<hbm>>) dst(%dma_wait3A_152 : memref<80x128xf32, #tpu.memory_space<vmem>>)
      %dma_wait3A_158 = arith.constant 560 : i32
      %dma_wait3A_159 = arith.constant 0 : i32
      %dma_wait3A_160 = tpu.memref_slice %arg12[%dma_wait3A_158, %dma_wait3A_159] : memref<800x128xf32, #tpu.memory_space<vmem>> -> memref<80x128xf32, #tpu.memory_space<vmem>>
      %dma_wait3A_161 = arith.constant 560 : i32
      %dma_wait3A_162 = tpu.memref_slice %arg11[%dma_wait3A_161] : memref<800xi32, #tpu.memory_space<vmem>> -> memref<80xi32, #tpu.memory_space<vmem>>
      %dma_wait3A_163 = arith.constant 0 : i32
      %dma_wait3A_164 = arith.constant 0 : i32
      %dma_wait3A_165 = tpu.memref_slice %arg5[%dma_wait3A_163, %dma_wait3A_164] : memref<100004x128xf32, #tpu.memory_space<hbm>> -> memref<100004x128xf32, #tpu.memory_space<hbm>>
      tpu.wait_indirect_dma semaphore(%arg13 : memref<!tpu.dma_semaphore, #tpu.memory_space<semaphore_mem>>) src(%dma_wait3A_165 : memref<100004x128xf32, #tpu.memory_space<hbm>>) dst(%dma_wait3A_160 : memref<80x128xf32, #tpu.memory_space<vmem>>)
      %dma_wait3A_166 = arith.constant 640 : i32
      %dma_wait3A_167 = arith.constant 0 : i32
      %dma_wait3A_168 = tpu.memref_slice %arg12[%dma_wait3A_166, %dma_wait3A_167] : memref<800x128xf32, #tpu.memory_space<vmem>> -> memref<80x128xf32, #tpu.memory_space<vmem>>
      %dma_wait3A_169 = arith.constant 640 : i32
      %dma_wait3A_170 = tpu.memref_slice %arg11[%dma_wait3A_169] : memref<800xi32, #tpu.memory_space<vmem>> -> memref<80xi32, #tpu.memory_space<vmem>>
      %dma_wait3A_171 = arith.constant 0 : i32
      %dma_wait3A_172 = arith.constant 0 : i32
      %dma_wait3A_173 = tpu.memref_slice %arg5[%dma_wait3A_171, %dma_wait3A_172] : memref<100004x128xf32, #tpu.memory_space<hbm>> -> memref<100004x128xf32, #tpu.memory_space<hbm>>
      tpu.wait_indirect_dma semaphore(%arg13 : memref<!tpu.dma_semaphore, #tpu.memory_space<semaphore_mem>>) src(%dma_wait3A_173 : memref<100004x128xf32, #tpu.memory_space<hbm>>) dst(%dma_wait3A_168 : memref<80x128xf32, #tpu.memory_space<vmem>>)
      %dma_wait3A_174 = arith.constant 720 : i32
      %dma_wait3A_175 = arith.constant 0 : i32
      %dma_wait3A_176 = tpu.memref_slice %arg12[%dma_wait3A_174, %dma_wait3A_175] : memref<800x128xf32, #tpu.memory_space<vmem>> -> memref<80x128xf32, #tpu.memory_space<vmem>>
      %dma_wait3A_177 = arith.constant 720 : i32
      %dma_wait3A_178 = tpu.memref_slice %arg11[%dma_wait3A_177] : memref<800xi32, #tpu.memory_space<vmem>> -> memref<80xi32, #tpu.memory_space<vmem>>
      %dma_wait3A_179 = arith.constant 0 : i32
      %dma_wait3A_180 = arith.constant 0 : i32
      %dma_wait3A_181 = tpu.memref_slice %arg5[%dma_wait3A_179, %dma_wait3A_180] : memref<100004x128xf32, #tpu.memory_space<hbm>> -> memref<100004x128xf32, #tpu.memory_space<hbm>>
      tpu.wait_indirect_dma semaphore(%arg13 : memref<!tpu.dma_semaphore, #tpu.memory_space<semaphore_mem>>) src(%dma_wait3A_181 : memref<100004x128xf32, #tpu.memory_space<hbm>>) dst(%dma_wait3A_176 : memref<80x128xf32, #tpu.memory_space<vmem>>)
      "tpu.region"() ({
        %run_scoped3A = tpu.sem_alloc : memref<!tpu.dma_semaphore, #tpu.memory_space<semaphore_mem>>
        %dma_start3A_182 = arith.constant 0 : i32
        %dma_start3A_183 = tpu.memref_slice %arg8[%add3A_23, %dma_start3A_182] : memref<51200x128xf32, #tpu.memory_space<hbm>> -> memref<800x128xf32, #tpu.memory_space<hbm>>
        %dma_start3A_184 = arith.constant 0 : i32
        %dma_start3A_185 = tpu.memref_slice %arg8[%add3A_23, %dma_start3A_184] : memref<51200x128xf32, #tpu.memory_space<hbm>> -> memref<800x128xf32, #tpu.memory_space<hbm>>
        tpu.enqueue_dma source(%arg12 : memref<800x128xf32, #tpu.memory_space<vmem>>) target(%dma_start3A_185 : memref<800x128xf32, #tpu.memory_space<hbm>>) target_semaphore(%run_scoped3A : memref<!tpu.dma_semaphore, #tpu.memory_space<semaphore_mem>>)
        %dma_wait3A_186 = arith.constant 0 : i32
        %dma_wait3A_187 = tpu.memref_slice %arg8[%add3A_23, %dma_wait3A_186] : memref<51200x128xf32, #tpu.memory_space<hbm>> -> memref<800x128xf32, #tpu.memory_space<hbm>>
        %dma_wait3A_188 = arith.constant 0 : i32
        %dma_wait3A_189 = tpu.memref_slice %arg8[%add3A_23, %dma_wait3A_188] : memref<51200x128xf32, #tpu.memory_space<hbm>> -> memref<800x128xf32, #tpu.memory_space<hbm>>
        tpu.wait_dma2 semaphore(%run_scoped3A : memref<!tpu.dma_semaphore, #tpu.memory_space<semaphore_mem>>) src(%arg12 : memref<800x128xf32, #tpu.memory_space<vmem>>) dst(%dma_wait3A_189 : memref<800x128xf32, #tpu.memory_space<hbm>>)
        tpu.yield
      }) : () -> ()
    }
    %scan3A_7 = arith.constant 2 : i32
    %scan3A_8 = arith.constant 0 : i32
    %scan3A_9 = arith.constant 0 : i32
    %scan3A_10 = arith.constant 2 : i32
    %scan3A_11 = arith.addi %scan3A_9, %scan3A_10 : i32
    %scan3A_12 = arith.constant 1 : i32
    scf.for %scan3A_20 = %scan3A_9 to %scan3A_11 step %scan3A_12  : i32 {
      %mul3A_21 = arith.constant 800 : i32
      %mul3A_22 = arith.muli %scan3A_20, %mul3A_21 : i32
      %add3A_23 = arith.addi %mul3A_2, %mul3A_22 : i32
      "tpu.region"() ({
        %run_scoped3A = tpu.sem_alloc : memref<!tpu.dma_semaphore, #tpu.memory_space<semaphore_mem>>
        %dma_start3A_182 = tpu.memref_slice %arg3[%add3A_23] : memref<51200xi32, #tpu.memory_space<hbm>> -> memref<800xi32, #tpu.memory_space<hbm>>
        %dma_start3A_183 = tpu.memref_slice %arg3[%add3A_23] : memref<51200xi32, #tpu.memory_space<hbm>> -> memref<800xi32, #tpu.memory_space<hbm>>
        tpu.enqueue_dma source(%dma_start3A_183 : memref<800xi32, #tpu.memory_space<hbm>>) target(%arg11 : memref<800xi32, #tpu.memory_space<vmem>>) target_semaphore(%run_scoped3A : memref<!tpu.dma_semaphore, #tpu.memory_space<semaphore_mem>>)
        %dma_wait3A_184 = tpu.memref_slice %arg3[%add3A_23] : memref<51200xi32, #tpu.memory_space<hbm>> -> memref<800xi32, #tpu.memory_space<hbm>>
        %dma_wait3A_185 = tpu.memref_slice %arg3[%add3A_23] : memref<51200xi32, #tpu.memory_space<hbm>> -> memref<800xi32, #tpu.memory_space<hbm>>
        tpu.wait_dma2 semaphore(%run_scoped3A : memref<!tpu.dma_semaphore, #tpu.memory_space<semaphore_mem>>) src(%dma_wait3A_185 : memref<800xi32, #tpu.memory_space<hbm>>) dst(%arg11 : memref<800xi32, #tpu.memory_space<vmem>>)
        tpu.yield
      }) : () -> ()
      %dma_start3A = arith.constant 0 : i32
      %dma_start3A_24 = arith.constant 0 : i32
      %dma_start3A_25 = tpu.memref_slice %arg12[%dma_start3A, %dma_start3A_24] : memref<800x128xf32, #tpu.memory_space<vmem>> -> memref<80x128xf32, #tpu.memory_space<vmem>>
      %dma_start3A_26 = arith.constant 0 : i32
      %dma_start3A_27 = tpu.memref_slice %arg11[%dma_start3A_26] : memref<800xi32, #tpu.memory_space<vmem>> -> memref<80xi32, #tpu.memory_space<vmem>>
      %dma_start3A_28 = arith.constant 0 : i32
      %dma_start3A_29 = arith.constant 0 : i32
      %dma_start3A_30 = tpu.memref_slice %arg6[%dma_start3A_28, %dma_start3A_29] : memref<100004x128xf32, #tpu.memory_space<hbm>> -> memref<100004x128xf32, #tpu.memory_space<hbm>>
      tpu.enqueue_indirect_dma source(%dma_start3A_30 : memref<100004x128xf32, #tpu.memory_space<hbm>>) target(%dma_start3A_25 : memref<80x128xf32, #tpu.memory_space<vmem>>) offsets(%dma_start3A_27 : memref<80xi32, #tpu.memory_space<vmem>>) semaphore(%arg13 : memref<!tpu.dma_semaphore, #tpu.memory_space<semaphore_mem>>)
      %dma_start3A_31 = arith.constant 80 : i32
      %dma_start3A_32 = arith.constant 0 : i32
      %dma_start3A_33 = tpu.memref_slice %arg12[%dma_start3A_31, %dma_start3A_32] : memref<800x128xf32, #tpu.memory_space<vmem>> -> memref<80x128xf32, #tpu.memory_space<vmem>>
      %dma_start3A_34 = arith.constant 80 : i32
      %dma_start3A_35 = tpu.memref_slice %arg11[%dma_start3A_34] : memref<800xi32, #tpu.memory_space<vmem>> -> memref<80xi32, #tpu.memory_space<vmem>>
      %dma_start3A_36 = arith.constant 0 : i32
      %dma_start3A_37 = arith.constant 0 : i32
      %dma_start3A_38 = tpu.memref_slice %arg6[%dma_start3A_36, %dma_start3A_37] : memref<100004x128xf32, #tpu.memory_space<hbm>> -> memref<100004x128xf32, #tpu.memory_space<hbm>>
      tpu.enqueue_indirect_dma source(%dma_start3A_38 : memref<100004x128xf32, #tpu.memory_space<hbm>>) target(%dma_start3A_33 : memref<80x128xf32, #tpu.memory_space<vmem>>) offsets(%dma_start3A_35 : memref<80xi32, #tpu.memory_space<vmem>>) semaphore(%arg13 : memref<!tpu.dma_semaphore, #tpu.memory_space<semaphore_mem>>)
      %dma_start3A_39 = arith.constant 160 : i32
      %dma_start3A_40 = arith.constant 0 : i32
      %dma_start3A_41 = tpu.memref_slice %arg12[%dma_start3A_39, %dma_start3A_40] : memref<800x128xf32, #tpu.memory_space<vmem>> -> memref<80x128xf32, #tpu.memory_space<vmem>>
      %dma_start3A_42 = arith.constant 160 : i32
      %dma_start3A_43 = tpu.memref_slice %arg11[%dma_start3A_42] : memref<800xi32, #tpu.memory_space<vmem>> -> memref<80xi32, #tpu.memory_space<vmem>>
      %dma_start3A_44 = arith.constant 0 : i32
      %dma_start3A_45 = arith.constant 0 : i32
      %dma_start3A_46 = tpu.memref_slice %arg6[%dma_start3A_44, %dma_start3A_45] : memref<100004x128xf32, #tpu.memory_space<hbm>> -> memref<100004x128xf32, #tpu.memory_space<hbm>>
      tpu.enqueue_indirect_dma source(%dma_start3A_46 : memref<100004x128xf32, #tpu.memory_space<hbm>>) target(%dma_start3A_41 : memref<80x128xf32, #tpu.memory_space<vmem>>) offsets(%dma_start3A_43 : memref<80xi32, #tpu.memory_space<vmem>>) semaphore(%arg13 : memref<!tpu.dma_semaphore, #tpu.memory_space<semaphore_mem>>)
      %dma_start3A_47 = arith.constant 240 : i32
      %dma_start3A_48 = arith.constant 0 : i32
      %dma_start3A_49 = tpu.memref_slice %arg12[%dma_start3A_47, %dma_start3A_48] : memref<800x128xf32, #tpu.memory_space<vmem>> -> memref<80x128xf32, #tpu.memory_space<vmem>>
      %dma_start3A_50 = arith.constant 240 : i32
      %dma_start3A_51 = tpu.memref_slice %arg11[%dma_start3A_50] : memref<800xi32, #tpu.memory_space<vmem>> -> memref<80xi32, #tpu.memory_space<vmem>>
      %dma_start3A_52 = arith.constant 0 : i32
      %dma_start3A_53 = arith.constant 0 : i32
      %dma_start3A_54 = tpu.memref_slice %arg6[%dma_start3A_52, %dma_start3A_53] : memref<100004x128xf32, #tpu.memory_space<hbm>> -> memref<100004x128xf32, #tpu.memory_space<hbm>>
      tpu.enqueue_indirect_dma source(%dma_start3A_54 : memref<100004x128xf32, #tpu.memory_space<hbm>>) target(%dma_start3A_49 : memref<80x128xf32, #tpu.memory_space<vmem>>) offsets(%dma_start3A_51 : memref<80xi32, #tpu.memory_space<vmem>>) semaphore(%arg13 : memref<!tpu.dma_semaphore, #tpu.memory_space<semaphore_mem>>)
      %dma_start3A_55 = arith.constant 320 : i32
      %dma_start3A_56 = arith.constant 0 : i32
      %dma_start3A_57 = tpu.memref_slice %arg12[%dma_start3A_55, %dma_start3A_56] : memref<800x128xf32, #tpu.memory_space<vmem>> -> memref<80x128xf32, #tpu.memory_space<vmem>>
      %dma_start3A_58 = arith.constant 320 : i32
      %dma_start3A_59 = tpu.memref_slice %arg11[%dma_start3A_58] : memref<800xi32, #tpu.memory_space<vmem>> -> memref<80xi32, #tpu.memory_space<vmem>>
      %dma_start3A_60 = arith.constant 0 : i32
      %dma_start3A_61 = arith.constant 0 : i32
      %dma_start3A_62 = tpu.memref_slice %arg6[%dma_start3A_60, %dma_start3A_61] : memref<100004x128xf32, #tpu.memory_space<hbm>> -> memref<100004x128xf32, #tpu.memory_space<hbm>>
      tpu.enqueue_indirect_dma source(%dma_start3A_62 : memref<100004x128xf32, #tpu.memory_space<hbm>>) target(%dma_start3A_57 : memref<80x128xf32, #tpu.memory_space<vmem>>) offsets(%dma_start3A_59 : memref<80xi32, #tpu.memory_space<vmem>>) semaphore(%arg13 : memref<!tpu.dma_semaphore, #tpu.memory_space<semaphore_mem>>)
      %dma_start3A_63 = arith.constant 400 : i32
      %dma_start3A_64 = arith.constant 0 : i32
      %dma_start3A_65 = tpu.memref_slice %arg12[%dma_start3A_63, %dma_start3A_64] : memref<800x128xf32, #tpu.memory_space<vmem>> -> memref<80x128xf32, #tpu.memory_space<vmem>>
      %dma_start3A_66 = arith.constant 400 : i32
      %dma_start3A_67 = tpu.memref_slice %arg11[%dma_start3A_66] : memref<800xi32, #tpu.memory_space<vmem>> -> memref<80xi32, #tpu.memory_space<vmem>>
      %dma_start3A_68 = arith.constant 0 : i32
      %dma_start3A_69 = arith.constant 0 : i32
      %dma_start3A_70 = tpu.memref_slice %arg6[%dma_start3A_68, %dma_start3A_69] : memref<100004x128xf32, #tpu.memory_space<hbm>> -> memref<100004x128xf32, #tpu.memory_space<hbm>>
      tpu.enqueue_indirect_dma source(%dma_start3A_70 : memref<100004x128xf32, #tpu.memory_space<hbm>>) target(%dma_start3A_65 : memref<80x128xf32, #tpu.memory_space<vmem>>) offsets(%dma_start3A_67 : memref<80xi32, #tpu.memory_space<vmem>>) semaphore(%arg13 : memref<!tpu.dma_semaphore, #tpu.memory_space<semaphore_mem>>)
      %dma_start3A_71 = arith.constant 480 : i32
      %dma_start3A_72 = arith.constant 0 : i32
      %dma_start3A_73 = tpu.memref_slice %arg12[%dma_start3A_71, %dma_start3A_72] : memref<800x128xf32, #tpu.memory_space<vmem>> -> memref<80x128xf32, #tpu.memory_space<vmem>>
      %dma_start3A_74 = arith.constant 480 : i32
      %dma_start3A_75 = tpu.memref_slice %arg11[%dma_start3A_74] : memref<800xi32, #tpu.memory_space<vmem>> -> memref<80xi32, #tpu.memory_space<vmem>>
      %dma_start3A_76 = arith.constant 0 : i32
      %dma_start3A_77 = arith.constant 0 : i32
      %dma_start3A_78 = tpu.memref_slice %arg6[%dma_start3A_76, %dma_start3A_77] : memref<100004x128xf32, #tpu.memory_space<hbm>> -> memref<100004x128xf32, #tpu.memory_space<hbm>>
      tpu.enqueue_indirect_dma source(%dma_start3A_78 : memref<100004x128xf32, #tpu.memory_space<hbm>>) target(%dma_start3A_73 : memref<80x128xf32, #tpu.memory_space<vmem>>) offsets(%dma_start3A_75 : memref<80xi32, #tpu.memory_space<vmem>>) semaphore(%arg13 : memref<!tpu.dma_semaphore, #tpu.memory_space<semaphore_mem>>)
      %dma_start3A_79 = arith.constant 560 : i32
      %dma_start3A_80 = arith.constant 0 : i32
      %dma_start3A_81 = tpu.memref_slice %arg12[%dma_start3A_79, %dma_start3A_80] : memref<800x128xf32, #tpu.memory_space<vmem>> -> memref<80x128xf32, #tpu.memory_space<vmem>>
      %dma_start3A_82 = arith.constant 560 : i32
      %dma_start3A_83 = tpu.memref_slice %arg11[%dma_start3A_82] : memref<800xi32, #tpu.memory_space<vmem>> -> memref<80xi32, #tpu.memory_space<vmem>>
      %dma_start3A_84 = arith.constant 0 : i32
      %dma_start3A_85 = arith.constant 0 : i32
      %dma_start3A_86 = tpu.memref_slice %arg6[%dma_start3A_84, %dma_start3A_85] : memref<100004x128xf32, #tpu.memory_space<hbm>> -> memref<100004x128xf32, #tpu.memory_space<hbm>>
      tpu.enqueue_indirect_dma source(%dma_start3A_86 : memref<100004x128xf32, #tpu.memory_space<hbm>>) target(%dma_start3A_81 : memref<80x128xf32, #tpu.memory_space<vmem>>) offsets(%dma_start3A_83 : memref<80xi32, #tpu.memory_space<vmem>>) semaphore(%arg13 : memref<!tpu.dma_semaphore, #tpu.memory_space<semaphore_mem>>)
      %dma_start3A_87 = arith.constant 640 : i32
      %dma_start3A_88 = arith.constant 0 : i32
      %dma_start3A_89 = tpu.memref_slice %arg12[%dma_start3A_87, %dma_start3A_88] : memref<800x128xf32, #tpu.memory_space<vmem>> -> memref<80x128xf32, #tpu.memory_space<vmem>>
      %dma_start3A_90 = arith.constant 640 : i32
      %dma_start3A_91 = tpu.memref_slice %arg11[%dma_start3A_90] : memref<800xi32, #tpu.memory_space<vmem>> -> memref<80xi32, #tpu.memory_space<vmem>>
      %dma_start3A_92 = arith.constant 0 : i32
      %dma_start3A_93 = arith.constant 0 : i32
      %dma_start3A_94 = tpu.memref_slice %arg6[%dma_start3A_92, %dma_start3A_93] : memref<100004x128xf32, #tpu.memory_space<hbm>> -> memref<100004x128xf32, #tpu.memory_space<hbm>>
      tpu.enqueue_indirect_dma source(%dma_start3A_94 : memref<100004x128xf32, #tpu.memory_space<hbm>>) target(%dma_start3A_89 : memref<80x128xf32, #tpu.memory_space<vmem>>) offsets(%dma_start3A_91 : memref<80xi32, #tpu.memory_space<vmem>>) semaphore(%arg13 : memref<!tpu.dma_semaphore, #tpu.memory_space<semaphore_mem>>)
      %dma_start3A_95 = arith.constant 720 : i32
      %dma_start3A_96 = arith.constant 0 : i32
      %dma_start3A_97 = tpu.memref_slice %arg12[%dma_start3A_95, %dma_start3A_96] : memref<800x128xf32, #tpu.memory_space<vmem>> -> memref<80x128xf32, #tpu.memory_space<vmem>>
      %dma_start3A_98 = arith.constant 720 : i32
      %dma_start3A_99 = tpu.memref_slice %arg11[%dma_start3A_98] : memref<800xi32, #tpu.memory_space<vmem>> -> memref<80xi32, #tpu.memory_space<vmem>>
      %dma_start3A_100 = arith.constant 0 : i32
      %dma_start3A_101 = arith.constant 0 : i32
      %dma_start3A_102 = tpu.memref_slice %arg6[%dma_start3A_100, %dma_start3A_101] : memref<100004x128xf32, #tpu.memory_space<hbm>> -> memref<100004x128xf32, #tpu.memory_space<hbm>>
      tpu.enqueue_indirect_dma source(%dma_start3A_102 : memref<100004x128xf32, #tpu.memory_space<hbm>>) target(%dma_start3A_97 : memref<80x128xf32, #tpu.memory_space<vmem>>) offsets(%dma_start3A_99 : memref<80xi32, #tpu.memory_space<vmem>>) semaphore(%arg13 : memref<!tpu.dma_semaphore, #tpu.memory_space<semaphore_mem>>)
      %dma_wait3A = arith.constant 0 : i32
      %dma_wait3A_103 = arith.constant 0 : i32
      %dma_wait3A_104 = tpu.memref_slice %arg12[%dma_wait3A, %dma_wait3A_103] : memref<800x128xf32, #tpu.memory_space<vmem>> -> memref<80x128xf32, #tpu.memory_space<vmem>>
      %dma_wait3A_105 = arith.constant 0 : i32
      %dma_wait3A_106 = tpu.memref_slice %arg11[%dma_wait3A_105] : memref<800xi32, #tpu.memory_space<vmem>> -> memref<80xi32, #tpu.memory_space<vmem>>
      %dma_wait3A_107 = arith.constant 0 : i32
      %dma_wait3A_108 = arith.constant 0 : i32
      %dma_wait3A_109 = tpu.memref_slice %arg6[%dma_wait3A_107, %dma_wait3A_108] : memref<100004x128xf32, #tpu.memory_space<hbm>> -> memref<100004x128xf32, #tpu.memory_space<hbm>>
      tpu.wait_indirect_dma semaphore(%arg13 : memref<!tpu.dma_semaphore, #tpu.memory_space<semaphore_mem>>) src(%dma_wait3A_109 : memref<100004x128xf32, #tpu.memory_space<hbm>>) dst(%dma_wait3A_104 : memref<80x128xf32, #tpu.memory_space<vmem>>)
      %dma_wait3A_110 = arith.constant 80 : i32
      %dma_wait3A_111 = arith.constant 0 : i32
      %dma_wait3A_112 = tpu.memref_slice %arg12[%dma_wait3A_110, %dma_wait3A_111] : memref<800x128xf32, #tpu.memory_space<vmem>> -> memref<80x128xf32, #tpu.memory_space<vmem>>
      %dma_wait3A_113 = arith.constant 80 : i32
      %dma_wait3A_114 = tpu.memref_slice %arg11[%dma_wait3A_113] : memref<800xi32, #tpu.memory_space<vmem>> -> memref<80xi32, #tpu.memory_space<vmem>>
      %dma_wait3A_115 = arith.constant 0 : i32
      %dma_wait3A_116 = arith.constant 0 : i32
      %dma_wait3A_117 = tpu.memref_slice %arg6[%dma_wait3A_115, %dma_wait3A_116] : memref<100004x128xf32, #tpu.memory_space<hbm>> -> memref<100004x128xf32, #tpu.memory_space<hbm>>
      tpu.wait_indirect_dma semaphore(%arg13 : memref<!tpu.dma_semaphore, #tpu.memory_space<semaphore_mem>>) src(%dma_wait3A_117 : memref<100004x128xf32, #tpu.memory_space<hbm>>) dst(%dma_wait3A_112 : memref<80x128xf32, #tpu.memory_space<vmem>>)
      %dma_wait3A_118 = arith.constant 160 : i32
      %dma_wait3A_119 = arith.constant 0 : i32
      %dma_wait3A_120 = tpu.memref_slice %arg12[%dma_wait3A_118, %dma_wait3A_119] : memref<800x128xf32, #tpu.memory_space<vmem>> -> memref<80x128xf32, #tpu.memory_space<vmem>>
      %dma_wait3A_121 = arith.constant 160 : i32
      %dma_wait3A_122 = tpu.memref_slice %arg11[%dma_wait3A_121] : memref<800xi32, #tpu.memory_space<vmem>> -> memref<80xi32, #tpu.memory_space<vmem>>
      %dma_wait3A_123 = arith.constant 0 : i32
      %dma_wait3A_124 = arith.constant 0 : i32
      %dma_wait3A_125 = tpu.memref_slice %arg6[%dma_wait3A_123, %dma_wait3A_124] : memref<100004x128xf32, #tpu.memory_space<hbm>> -> memref<100004x128xf32, #tpu.memory_space<hbm>>
      tpu.wait_indirect_dma semaphore(%arg13 : memref<!tpu.dma_semaphore, #tpu.memory_space<semaphore_mem>>) src(%dma_wait3A_125 : memref<100004x128xf32, #tpu.memory_space<hbm>>) dst(%dma_wait3A_120 : memref<80x128xf32, #tpu.memory_space<vmem>>)
      %dma_wait3A_126 = arith.constant 240 : i32
      %dma_wait3A_127 = arith.constant 0 : i32
      %dma_wait3A_128 = tpu.memref_slice %arg12[%dma_wait3A_126, %dma_wait3A_127] : memref<800x128xf32, #tpu.memory_space<vmem>> -> memref<80x128xf32, #tpu.memory_space<vmem>>
      %dma_wait3A_129 = arith.constant 240 : i32
      %dma_wait3A_130 = tpu.memref_slice %arg11[%dma_wait3A_129] : memref<800xi32, #tpu.memory_space<vmem>> -> memref<80xi32, #tpu.memory_space<vmem>>
      %dma_wait3A_131 = arith.constant 0 : i32
      %dma_wait3A_132 = arith.constant 0 : i32
      %dma_wait3A_133 = tpu.memref_slice %arg6[%dma_wait3A_131, %dma_wait3A_132] : memref<100004x128xf32, #tpu.memory_space<hbm>> -> memref<100004x128xf32, #tpu.memory_space<hbm>>
      tpu.wait_indirect_dma semaphore(%arg13 : memref<!tpu.dma_semaphore, #tpu.memory_space<semaphore_mem>>) src(%dma_wait3A_133 : memref<100004x128xf32, #tpu.memory_space<hbm>>) dst(%dma_wait3A_128 : memref<80x128xf32, #tpu.memory_space<vmem>>)
      %dma_wait3A_134 = arith.constant 320 : i32
      %dma_wait3A_135 = arith.constant 0 : i32
      %dma_wait3A_136 = tpu.memref_slice %arg12[%dma_wait3A_134, %dma_wait3A_135] : memref<800x128xf32, #tpu.memory_space<vmem>> -> memref<80x128xf32, #tpu.memory_space<vmem>>
      %dma_wait3A_137 = arith.constant 320 : i32
      %dma_wait3A_138 = tpu.memref_slice %arg11[%dma_wait3A_137] : memref<800xi32, #tpu.memory_space<vmem>> -> memref<80xi32, #tpu.memory_space<vmem>>
      %dma_wait3A_139 = arith.constant 0 : i32
      %dma_wait3A_140 = arith.constant 0 : i32
      %dma_wait3A_141 = tpu.memref_slice %arg6[%dma_wait3A_139, %dma_wait3A_140] : memref<100004x128xf32, #tpu.memory_space<hbm>> -> memref<100004x128xf32, #tpu.memory_space<hbm>>
      tpu.wait_indirect_dma semaphore(%arg13 : memref<!tpu.dma_semaphore, #tpu.memory_space<semaphore_mem>>) src(%dma_wait3A_141 : memref<100004x128xf32, #tpu.memory_space<hbm>>) dst(%dma_wait3A_136 : memref<80x128xf32, #tpu.memory_space<vmem>>)
      %dma_wait3A_142 = arith.constant 400 : i32
      %dma_wait3A_143 = arith.constant 0 : i32
      %dma_wait3A_144 = tpu.memref_slice %arg12[%dma_wait3A_142, %dma_wait3A_143] : memref<800x128xf32, #tpu.memory_space<vmem>> -> memref<80x128xf32, #tpu.memory_space<vmem>>
      %dma_wait3A_145 = arith.constant 400 : i32
      %dma_wait3A_146 = tpu.memref_slice %arg11[%dma_wait3A_145] : memref<800xi32, #tpu.memory_space<vmem>> -> memref<80xi32, #tpu.memory_space<vmem>>
      %dma_wait3A_147 = arith.constant 0 : i32
      %dma_wait3A_148 = arith.constant 0 : i32
      %dma_wait3A_149 = tpu.memref_slice %arg6[%dma_wait3A_147, %dma_wait3A_148] : memref<100004x128xf32, #tpu.memory_space<hbm>> -> memref<100004x128xf32, #tpu.memory_space<hbm>>
      tpu.wait_indirect_dma semaphore(%arg13 : memref<!tpu.dma_semaphore, #tpu.memory_space<semaphore_mem>>) src(%dma_wait3A_149 : memref<100004x128xf32, #tpu.memory_space<hbm>>) dst(%dma_wait3A_144 : memref<80x128xf32, #tpu.memory_space<vmem>>)
      %dma_wait3A_150 = arith.constant 480 : i32
      %dma_wait3A_151 = arith.constant 0 : i32
      %dma_wait3A_152 = tpu.memref_slice %arg12[%dma_wait3A_150, %dma_wait3A_151] : memref<800x128xf32, #tpu.memory_space<vmem>> -> memref<80x128xf32, #tpu.memory_space<vmem>>
      %dma_wait3A_153 = arith.constant 480 : i32
      %dma_wait3A_154 = tpu.memref_slice %arg11[%dma_wait3A_153] : memref<800xi32, #tpu.memory_space<vmem>> -> memref<80xi32, #tpu.memory_space<vmem>>
      %dma_wait3A_155 = arith.constant 0 : i32
      %dma_wait3A_156 = arith.constant 0 : i32
      %dma_wait3A_157 = tpu.memref_slice %arg6[%dma_wait3A_155, %dma_wait3A_156] : memref<100004x128xf32, #tpu.memory_space<hbm>> -> memref<100004x128xf32, #tpu.memory_space<hbm>>
      tpu.wait_indirect_dma semaphore(%arg13 : memref<!tpu.dma_semaphore, #tpu.memory_space<semaphore_mem>>) src(%dma_wait3A_157 : memref<100004x128xf32, #tpu.memory_space<hbm>>) dst(%dma_wait3A_152 : memref<80x128xf32, #tpu.memory_space<vmem>>)
      %dma_wait3A_158 = arith.constant 560 : i32
      %dma_wait3A_159 = arith.constant 0 : i32
      %dma_wait3A_160 = tpu.memref_slice %arg12[%dma_wait3A_158, %dma_wait3A_159] : memref<800x128xf32, #tpu.memory_space<vmem>> -> memref<80x128xf32, #tpu.memory_space<vmem>>
      %dma_wait3A_161 = arith.constant 560 : i32
      %dma_wait3A_162 = tpu.memref_slice %arg11[%dma_wait3A_161] : memref<800xi32, #tpu.memory_space<vmem>> -> memref<80xi32, #tpu.memory_space<vmem>>
      %dma_wait3A_163 = arith.constant 0 : i32
      %dma_wait3A_164 = arith.constant 0 : i32
      %dma_wait3A_165 = tpu.memref_slice %arg6[%dma_wait3A_163, %dma_wait3A_164] : memref<100004x128xf32, #tpu.memory_space<hbm>> -> memref<100004x128xf32, #tpu.memory_space<hbm>>
      tpu.wait_indirect_dma semaphore(%arg13 : memref<!tpu.dma_semaphore, #tpu.memory_space<semaphore_mem>>) src(%dma_wait3A_165 : memref<100004x128xf32, #tpu.memory_space<hbm>>) dst(%dma_wait3A_160 : memref<80x128xf32, #tpu.memory_space<vmem>>)
      %dma_wait3A_166 = arith.constant 640 : i32
      %dma_wait3A_167 = arith.constant 0 : i32
      %dma_wait3A_168 = tpu.memref_slice %arg12[%dma_wait3A_166, %dma_wait3A_167] : memref<800x128xf32, #tpu.memory_space<vmem>> -> memref<80x128xf32, #tpu.memory_space<vmem>>
      %dma_wait3A_169 = arith.constant 640 : i32
      %dma_wait3A_170 = tpu.memref_slice %arg11[%dma_wait3A_169] : memref<800xi32, #tpu.memory_space<vmem>> -> memref<80xi32, #tpu.memory_space<vmem>>
      %dma_wait3A_171 = arith.constant 0 : i32
      %dma_wait3A_172 = arith.constant 0 : i32
      %dma_wait3A_173 = tpu.memref_slice %arg6[%dma_wait3A_171, %dma_wait3A_172] : memref<100004x128xf32, #tpu.memory_space<hbm>> -> memref<100004x128xf32, #tpu.memory_space<hbm>>
      tpu.wait_indirect_dma semaphore(%arg13 : memref<!tpu.dma_semaphore, #tpu.memory_space<semaphore_mem>>) src(%dma_wait3A_173 : memref<100004x128xf32, #tpu.memory_space<hbm>>) dst(%dma_wait3A_168 : memref<80x128xf32, #tpu.memory_space<vmem>>)
      %dma_wait3A_174 = arith.constant 720 : i32
      %dma_wait3A_175 = arith.constant 0 : i32
      %dma_wait3A_176 = tpu.memref_slice %arg12[%dma_wait3A_174, %dma_wait3A_175] : memref<800x128xf32, #tpu.memory_space<vmem>> -> memref<80x128xf32, #tpu.memory_space<vmem>>
      %dma_wait3A_177 = arith.constant 720 : i32
      %dma_wait3A_178 = tpu.memref_slice %arg11[%dma_wait3A_177] : memref<800xi32, #tpu.memory_space<vmem>> -> memref<80xi32, #tpu.memory_space<vmem>>
      %dma_wait3A_179 = arith.constant 0 : i32
      %dma_wait3A_180 = arith.constant 0 : i32
      %dma_wait3A_181 = tpu.memref_slice %arg6[%dma_wait3A_179, %dma_wait3A_180] : memref<100004x128xf32, #tpu.memory_space<hbm>> -> memref<100004x128xf32, #tpu.memory_space<hbm>>
      tpu.wait_indirect_dma semaphore(%arg13 : memref<!tpu.dma_semaphore, #tpu.memory_space<semaphore_mem>>) src(%dma_wait3A_181 : memref<100004x128xf32, #tpu.memory_space<hbm>>) dst(%dma_wait3A_176 : memref<80x128xf32, #tpu.memory_space<vmem>>)
      "tpu.region"() ({
        %run_scoped3A = tpu.sem_alloc : memref<!tpu.dma_semaphore, #tpu.memory_space<semaphore_mem>>
        %dma_start3A_182 = arith.constant 0 : i32
        %dma_start3A_183 = tpu.memref_slice %arg9[%add3A_23, %dma_start3A_182] : memref<51200x128xf32, #tpu.memory_space<hbm>> -> memref<800x128xf32, #tpu.memory_space<hbm>>
        %dma_start3A_184 = arith.constant 0 : i32
        %dma_start3A_185 = tpu.memref_slice %arg9[%add3A_23, %dma_start3A_184] : memref<51200x128xf32, #tpu.memory_space<hbm>> -> memref<800x128xf32, #tpu.memory_space<hbm>>
        tpu.enqueue_dma source(%arg12 : memref<800x128xf32, #tpu.memory_space<vmem>>) target(%dma_start3A_185 : memref<800x128xf32, #tpu.memory_space<hbm>>) target_semaphore(%run_scoped3A : memref<!tpu.dma_semaphore, #tpu.memory_space<semaphore_mem>>)
        %dma_wait3A_186 = arith.constant 0 : i32
        %dma_wait3A_187 = tpu.memref_slice %arg9[%add3A_23, %dma_wait3A_186] : memref<51200x128xf32, #tpu.memory_space<hbm>> -> memref<800x128xf32, #tpu.memory_space<hbm>>
        %dma_wait3A_188 = arith.constant 0 : i32
        %dma_wait3A_189 = tpu.memref_slice %arg9[%add3A_23, %dma_wait3A_188] : memref<51200x128xf32, #tpu.memory_space<hbm>> -> memref<800x128xf32, #tpu.memory_space<hbm>>
        tpu.wait_dma2 semaphore(%run_scoped3A : memref<!tpu.dma_semaphore, #tpu.memory_space<semaphore_mem>>) src(%arg12 : memref<800x128xf32, #tpu.memory_space<vmem>>) dst(%dma_wait3A_189 : memref<800x128xf32, #tpu.memory_space<hbm>>)
        tpu.yield
      }) : () -> ()
    }
    %scan3A_13 = arith.constant 2 : i32
    %scan3A_14 = arith.constant 0 : i32
    %scan3A_15 = arith.constant 0 : i32
    %scan3A_16 = arith.constant 2 : i32
    %scan3A_17 = arith.addi %scan3A_15, %scan3A_16 : i32
    %scan3A_18 = arith.constant 1 : i32
    scf.for %scan3A_20 = %scan3A_15 to %scan3A_17 step %scan3A_18  : i32 {
      %mul3A_21 = arith.constant 800 : i32
      %mul3A_22 = arith.muli %scan3A_20, %mul3A_21 : i32
      %add3A_23 = arith.addi %mul3A_2, %mul3A_22 : i32
      "tpu.region"() ({
        %run_scoped3A = tpu.sem_alloc : memref<!tpu.dma_semaphore, #tpu.memory_space<semaphore_mem>>
        %dma_start3A_182 = tpu.memref_slice %arg4[%add3A_23] : memref<51200xi32, #tpu.memory_space<hbm>> -> memref<800xi32, #tpu.memory_space<hbm>>
        %dma_start3A_183 = tpu.memref_slice %arg4[%add3A_23] : memref<51200xi32, #tpu.memory_space<hbm>> -> memref<800xi32, #tpu.memory_space<hbm>>
        tpu.enqueue_dma source(%dma_start3A_183 : memref<800xi32, #tpu.memory_space<hbm>>) target(%arg11 : memref<800xi32, #tpu.memory_space<vmem>>) target_semaphore(%run_scoped3A : memref<!tpu.dma_semaphore, #tpu.memory_space<semaphore_mem>>)
        %dma_wait3A_184 = tpu.memref_slice %arg4[%add3A_23] : memref<51200xi32, #tpu.memory_space<hbm>> -> memref<800xi32, #tpu.memory_space<hbm>>
        %dma_wait3A_185 = tpu.memref_slice %arg4[%add3A_23] : memref<51200xi32, #tpu.memory_space<hbm>> -> memref<800xi32, #tpu.memory_space<hbm>>
        tpu.wait_dma2 semaphore(%run_scoped3A : memref<!tpu.dma_semaphore, #tpu.memory_space<semaphore_mem>>) src(%dma_wait3A_185 : memref<800xi32, #tpu.memory_space<hbm>>) dst(%arg11 : memref<800xi32, #tpu.memory_space<vmem>>)
        tpu.yield
      }) : () -> ()
      %dma_start3A = arith.constant 0 : i32
      %dma_start3A_24 = arith.constant 0 : i32
      %dma_start3A_25 = tpu.memref_slice %arg12[%dma_start3A, %dma_start3A_24] : memref<800x128xf32, #tpu.memory_space<vmem>> -> memref<80x128xf32, #tpu.memory_space<vmem>>
      %dma_start3A_26 = arith.constant 0 : i32
      %dma_start3A_27 = tpu.memref_slice %arg11[%dma_start3A_26] : memref<800xi32, #tpu.memory_space<vmem>> -> memref<80xi32, #tpu.memory_space<vmem>>
      %dma_start3A_28 = arith.constant 0 : i32
      %dma_start3A_29 = arith.constant 0 : i32
      %dma_start3A_30 = tpu.memref_slice %arg7[%dma_start3A_28, %dma_start3A_29] : memref<2052x128xf32, #tpu.memory_space<hbm>> -> memref<2052x128xf32, #tpu.memory_space<hbm>>
      tpu.enqueue_indirect_dma source(%dma_start3A_30 : memref<2052x128xf32, #tpu.memory_space<hbm>>) target(%dma_start3A_25 : memref<80x128xf32, #tpu.memory_space<vmem>>) offsets(%dma_start3A_27 : memref<80xi32, #tpu.memory_space<vmem>>) semaphore(%arg13 : memref<!tpu.dma_semaphore, #tpu.memory_space<semaphore_mem>>)
      %dma_start3A_31 = arith.constant 80 : i32
      %dma_start3A_32 = arith.constant 0 : i32
      %dma_start3A_33 = tpu.memref_slice %arg12[%dma_start3A_31, %dma_start3A_32] : memref<800x128xf32, #tpu.memory_space<vmem>> -> memref<80x128xf32, #tpu.memory_space<vmem>>
      %dma_start3A_34 = arith.constant 80 : i32
      %dma_start3A_35 = tpu.memref_slice %arg11[%dma_start3A_34] : memref<800xi32, #tpu.memory_space<vmem>> -> memref<80xi32, #tpu.memory_space<vmem>>
      %dma_start3A_36 = arith.constant 0 : i32
      %dma_start3A_37 = arith.constant 0 : i32
      %dma_start3A_38 = tpu.memref_slice %arg7[%dma_start3A_36, %dma_start3A_37] : memref<2052x128xf32, #tpu.memory_space<hbm>> -> memref<2052x128xf32, #tpu.memory_space<hbm>>
      tpu.enqueue_indirect_dma source(%dma_start3A_38 : memref<2052x128xf32, #tpu.memory_space<hbm>>) target(%dma_start3A_33 : memref<80x128xf32, #tpu.memory_space<vmem>>) offsets(%dma_start3A_35 : memref<80xi32, #tpu.memory_space<vmem>>) semaphore(%arg13 : memref<!tpu.dma_semaphore, #tpu.memory_space<semaphore_mem>>)
      %dma_start3A_39 = arith.constant 160 : i32
      %dma_start3A_40 = arith.constant 0 : i32
      %dma_start3A_41 = tpu.memref_slice %arg12[%dma_start3A_39, %dma_start3A_40] : memref<800x128xf32, #tpu.memory_space<vmem>> -> memref<80x128xf32, #tpu.memory_space<vmem>>
      %dma_start3A_42 = arith.constant 160 : i32
      %dma_start3A_43 = tpu.memref_slice %arg11[%dma_start3A_42] : memref<800xi32, #tpu.memory_space<vmem>> -> memref<80xi32, #tpu.memory_space<vmem>>
      %dma_start3A_44 = arith.constant 0 : i32
      %dma_start3A_45 = arith.constant 0 : i32
      %dma_start3A_46 = tpu.memref_slice %arg7[%dma_start3A_44, %dma_start3A_45] : memref<2052x128xf32, #tpu.memory_space<hbm>> -> memref<2052x128xf32, #tpu.memory_space<hbm>>
      tpu.enqueue_indirect_dma source(%dma_start3A_46 : memref<2052x128xf32, #tpu.memory_space<hbm>>) target(%dma_start3A_41 : memref<80x128xf32, #tpu.memory_space<vmem>>) offsets(%dma_start3A_43 : memref<80xi32, #tpu.memory_space<vmem>>) semaphore(%arg13 : memref<!tpu.dma_semaphore, #tpu.memory_space<semaphore_mem>>)
      %dma_start3A_47 = arith.constant 240 : i32
      %dma_start3A_48 = arith.constant 0 : i32
      %dma_start3A_49 = tpu.memref_slice %arg12[%dma_start3A_47, %dma_start3A_48] : memref<800x128xf32, #tpu.memory_space<vmem>> -> memref<80x128xf32, #tpu.memory_space<vmem>>
      %dma_start3A_50 = arith.constant 240 : i32
      %dma_start3A_51 = tpu.memref_slice %arg11[%dma_start3A_50] : memref<800xi32, #tpu.memory_space<vmem>> -> memref<80xi32, #tpu.memory_space<vmem>>
      %dma_start3A_52 = arith.constant 0 : i32
      %dma_start3A_53 = arith.constant 0 : i32
      %dma_start3A_54 = tpu.memref_slice %arg7[%dma_start3A_52, %dma_start3A_53] : memref<2052x128xf32, #tpu.memory_space<hbm>> -> memref<2052x128xf32, #tpu.memory_space<hbm>>
      tpu.enqueue_indirect_dma source(%dma_start3A_54 : memref<2052x128xf32, #tpu.memory_space<hbm>>) target(%dma_start3A_49 : memref<80x128xf32, #tpu.memory_space<vmem>>) offsets(%dma_start3A_51 : memref<80xi32, #tpu.memory_space<vmem>>) semaphore(%arg13 : memref<!tpu.dma_semaphore, #tpu.memory_space<semaphore_mem>>)
      %dma_start3A_55 = arith.constant 320 : i32
      %dma_start3A_56 = arith.constant 0 : i32
      %dma_start3A_57 = tpu.memref_slice %arg12[%dma_start3A_55, %dma_start3A_56] : memref<800x128xf32, #tpu.memory_space<vmem>> -> memref<80x128xf32, #tpu.memory_space<vmem>>
      %dma_start3A_58 = arith.constant 320 : i32
      %dma_start3A_59 = tpu.memref_slice %arg11[%dma_start3A_58] : memref<800xi32, #tpu.memory_space<vmem>> -> memref<80xi32, #tpu.memory_space<vmem>>
      %dma_start3A_60 = arith.constant 0 : i32
      %dma_start3A_61 = arith.constant 0 : i32
      %dma_start3A_62 = tpu.memref_slice %arg7[%dma_start3A_60, %dma_start3A_61] : memref<2052x128xf32, #tpu.memory_space<hbm>> -> memref<2052x128xf32, #tpu.memory_space<hbm>>
      tpu.enqueue_indirect_dma source(%dma_start3A_62 : memref<2052x128xf32, #tpu.memory_space<hbm>>) target(%dma_start3A_57 : memref<80x128xf32, #tpu.memory_space<vmem>>) offsets(%dma_start3A_59 : memref<80xi32, #tpu.memory_space<vmem>>) semaphore(%arg13 : memref<!tpu.dma_semaphore, #tpu.memory_space<semaphore_mem>>)
      %dma_start3A_63 = arith.constant 400 : i32
      %dma_start3A_64 = arith.constant 0 : i32
      %dma_start3A_65 = tpu.memref_slice %arg12[%dma_start3A_63, %dma_start3A_64] : memref<800x128xf32, #tpu.memory_space<vmem>> -> memref<80x128xf32, #tpu.memory_space<vmem>>
      %dma_start3A_66 = arith.constant 400 : i32
      %dma_start3A_67 = tpu.memref_slice %arg11[%dma_start3A_66] : memref<800xi32, #tpu.memory_space<vmem>> -> memref<80xi32, #tpu.memory_space<vmem>>
      %dma_start3A_68 = arith.constant 0 : i32
      %dma_start3A_69 = arith.constant 0 : i32
      %dma_start3A_70 = tpu.memref_slice %arg7[%dma_start3A_68, %dma_start3A_69] : memref<2052x128xf32, #tpu.memory_space<hbm>> -> memref<2052x128xf32, #tpu.memory_space<hbm>>
      tpu.enqueue_indirect_dma source(%dma_start3A_70 : memref<2052x128xf32, #tpu.memory_space<hbm>>) target(%dma_start3A_65 : memref<80x128xf32, #tpu.memory_space<vmem>>) offsets(%dma_start3A_67 : memref<80xi32, #tpu.memory_space<vmem>>) semaphore(%arg13 : memref<!tpu.dma_semaphore, #tpu.memory_space<semaphore_mem>>)
      %dma_start3A_71 = arith.constant 480 : i32
      %dma_start3A_72 = arith.constant 0 : i32
      %dma_start3A_73 = tpu.memref_slice %arg12[%dma_start3A_71, %dma_start3A_72] : memref<800x128xf32, #tpu.memory_space<vmem>> -> memref<80x128xf32, #tpu.memory_space<vmem>>
      %dma_start3A_74 = arith.constant 480 : i32
      %dma_start3A_75 = tpu.memref_slice %arg11[%dma_start3A_74] : memref<800xi32, #tpu.memory_space<vmem>> -> memref<80xi32, #tpu.memory_space<vmem>>
      %dma_start3A_76 = arith.constant 0 : i32
      %dma_start3A_77 = arith.constant 0 : i32
      %dma_start3A_78 = tpu.memref_slice %arg7[%dma_start3A_76, %dma_start3A_77] : memref<2052x128xf32, #tpu.memory_space<hbm>> -> memref<2052x128xf32, #tpu.memory_space<hbm>>
      tpu.enqueue_indirect_dma source(%dma_start3A_78 : memref<2052x128xf32, #tpu.memory_space<hbm>>) target(%dma_start3A_73 : memref<80x128xf32, #tpu.memory_space<vmem>>) offsets(%dma_start3A_75 : memref<80xi32, #tpu.memory_space<vmem>>) semaphore(%arg13 : memref<!tpu.dma_semaphore, #tpu.memory_space<semaphore_mem>>)
      %dma_start3A_79 = arith.constant 560 : i32
      %dma_start3A_80 = arith.constant 0 : i32
      %dma_start3A_81 = tpu.memref_slice %arg12[%dma_start3A_79, %dma_start3A_80] : memref<800x128xf32, #tpu.memory_space<vmem>> -> memref<80x128xf32, #tpu.memory_space<vmem>>
      %dma_start3A_82 = arith.constant 560 : i32
      %dma_start3A_83 = tpu.memref_slice %arg11[%dma_start3A_82] : memref<800xi32, #tpu.memory_space<vmem>> -> memref<80xi32, #tpu.memory_space<vmem>>
      %dma_start3A_84 = arith.constant 0 : i32
      %dma_start3A_85 = arith.constant 0 : i32
      %dma_start3A_86 = tpu.memref_slice %arg7[%dma_start3A_84, %dma_start3A_85] : memref<2052x128xf32, #tpu.memory_space<hbm>> -> memref<2052x128xf32, #tpu.memory_space<hbm>>
      tpu.enqueue_indirect_dma source(%dma_start3A_86 : memref<2052x128xf32, #tpu.memory_space<hbm>>) target(%dma_start3A_81 : memref<80x128xf32, #tpu.memory_space<vmem>>) offsets(%dma_start3A_83 : memref<80xi32, #tpu.memory_space<vmem>>) semaphore(%arg13 : memref<!tpu.dma_semaphore, #tpu.memory_space<semaphore_mem>>)
      %dma_start3A_87 = arith.constant 640 : i32
      %dma_start3A_88 = arith.constant 0 : i32
      %dma_start3A_89 = tpu.memref_slice %arg12[%dma_start3A_87, %dma_start3A_88] : memref<800x128xf32, #tpu.memory_space<vmem>> -> memref<80x128xf32, #tpu.memory_space<vmem>>
      %dma_start3A_90 = arith.constant 640 : i32
      %dma_start3A_91 = tpu.memref_slice %arg11[%dma_start3A_90] : memref<800xi32, #tpu.memory_space<vmem>> -> memref<80xi32, #tpu.memory_space<vmem>>
      %dma_start3A_92 = arith.constant 0 : i32
      %dma_start3A_93 = arith.constant 0 : i32
      %dma_start3A_94 = tpu.memref_slice %arg7[%dma_start3A_92, %dma_start3A_93] : memref<2052x128xf32, #tpu.memory_space<hbm>> -> memref<2052x128xf32, #tpu.memory_space<hbm>>
      tpu.enqueue_indirect_dma source(%dma_start3A_94 : memref<2052x128xf32, #tpu.memory_space<hbm>>) target(%dma_start3A_89 : memref<80x128xf32, #tpu.memory_space<vmem>>) offsets(%dma_start3A_91 : memref<80xi32, #tpu.memory_space<vmem>>) semaphore(%arg13 : memref<!tpu.dma_semaphore, #tpu.memory_space<semaphore_mem>>)
      %dma_start3A_95 = arith.constant 720 : i32
      %dma_start3A_96 = arith.constant 0 : i32
      %dma_start3A_97 = tpu.memref_slice %arg12[%dma_start3A_95, %dma_start3A_96] : memref<800x128xf32, #tpu.memory_space<vmem>> -> memref<80x128xf32, #tpu.memory_space<vmem>>
      %dma_start3A_98 = arith.constant 720 : i32
      %dma_start3A_99 = tpu.memref_slice %arg11[%dma_start3A_98] : memref<800xi32, #tpu.memory_space<vmem>> -> memref<80xi32, #tpu.memory_space<vmem>>
      %dma_start3A_100 = arith.constant 0 : i32
      %dma_start3A_101 = arith.constant 0 : i32
      %dma_start3A_102 = tpu.memref_slice %arg7[%dma_start3A_100, %dma_start3A_101] : memref<2052x128xf32, #tpu.memory_space<hbm>> -> memref<2052x128xf32, #tpu.memory_space<hbm>>
      tpu.enqueue_indirect_dma source(%dma_start3A_102 : memref<2052x128xf32, #tpu.memory_space<hbm>>) target(%dma_start3A_97 : memref<80x128xf32, #tpu.memory_space<vmem>>) offsets(%dma_start3A_99 : memref<80xi32, #tpu.memory_space<vmem>>) semaphore(%arg13 : memref<!tpu.dma_semaphore, #tpu.memory_space<semaphore_mem>>)
      %dma_wait3A = arith.constant 0 : i32
      %dma_wait3A_103 = arith.constant 0 : i32
      %dma_wait3A_104 = tpu.memref_slice %arg12[%dma_wait3A, %dma_wait3A_103] : memref<800x128xf32, #tpu.memory_space<vmem>> -> memref<80x128xf32, #tpu.memory_space<vmem>>
      %dma_wait3A_105 = arith.constant 0 : i32
      %dma_wait3A_106 = tpu.memref_slice %arg11[%dma_wait3A_105] : memref<800xi32, #tpu.memory_space<vmem>> -> memref<80xi32, #tpu.memory_space<vmem>>
      %dma_wait3A_107 = arith.constant 0 : i32
      %dma_wait3A_108 = arith.constant 0 : i32
      %dma_wait3A_109 = tpu.memref_slice %arg7[%dma_wait3A_107, %dma_wait3A_108] : memref<2052x128xf32, #tpu.memory_space<hbm>> -> memref<2052x128xf32, #tpu.memory_space<hbm>>
      tpu.wait_indirect_dma semaphore(%arg13 : memref<!tpu.dma_semaphore, #tpu.memory_space<semaphore_mem>>) src(%dma_wait3A_109 : memref<2052x128xf32, #tpu.memory_space<hbm>>) dst(%dma_wait3A_104 : memref<80x128xf32, #tpu.memory_space<vmem>>)
      %dma_wait3A_110 = arith.constant 80 : i32
      %dma_wait3A_111 = arith.constant 0 : i32
      %dma_wait3A_112 = tpu.memref_slice %arg12[%dma_wait3A_110, %dma_wait3A_111] : memref<800x128xf32, #tpu.memory_space<vmem>> -> memref<80x128xf32, #tpu.memory_space<vmem>>
      %dma_wait3A_113 = arith.constant 80 : i32
      %dma_wait3A_114 = tpu.memref_slice %arg11[%dma_wait3A_113] : memref<800xi32, #tpu.memory_space<vmem>> -> memref<80xi32, #tpu.memory_space<vmem>>
      %dma_wait3A_115 = arith.constant 0 : i32
      %dma_wait3A_116 = arith.constant 0 : i32
      %dma_wait3A_117 = tpu.memref_slice %arg7[%dma_wait3A_115, %dma_wait3A_116] : memref<2052x128xf32, #tpu.memory_space<hbm>> -> memref<2052x128xf32, #tpu.memory_space<hbm>>
      tpu.wait_indirect_dma semaphore(%arg13 : memref<!tpu.dma_semaphore, #tpu.memory_space<semaphore_mem>>) src(%dma_wait3A_117 : memref<2052x128xf32, #tpu.memory_space<hbm>>) dst(%dma_wait3A_112 : memref<80x128xf32, #tpu.memory_space<vmem>>)
      %dma_wait3A_118 = arith.constant 160 : i32
      %dma_wait3A_119 = arith.constant 0 : i32
      %dma_wait3A_120 = tpu.memref_slice %arg12[%dma_wait3A_118, %dma_wait3A_119] : memref<800x128xf32, #tpu.memory_space<vmem>> -> memref<80x128xf32, #tpu.memory_space<vmem>>
      %dma_wait3A_121 = arith.constant 160 : i32
      %dma_wait3A_122 = tpu.memref_slice %arg11[%dma_wait3A_121] : memref<800xi32, #tpu.memory_space<vmem>> -> memref<80xi32, #tpu.memory_space<vmem>>
      %dma_wait3A_123 = arith.constant 0 : i32
      %dma_wait3A_124 = arith.constant 0 : i32
      %dma_wait3A_125 = tpu.memref_slice %arg7[%dma_wait3A_123, %dma_wait3A_124] : memref<2052x128xf32, #tpu.memory_space<hbm>> -> memref<2052x128xf32, #tpu.memory_space<hbm>>
      tpu.wait_indirect_dma semaphore(%arg13 : memref<!tpu.dma_semaphore, #tpu.memory_space<semaphore_mem>>) src(%dma_wait3A_125 : memref<2052x128xf32, #tpu.memory_space<hbm>>) dst(%dma_wait3A_120 : memref<80x128xf32, #tpu.memory_space<vmem>>)
      %dma_wait3A_126 = arith.constant 240 : i32
      %dma_wait3A_127 = arith.constant 0 : i32
      %dma_wait3A_128 = tpu.memref_slice %arg12[%dma_wait3A_126, %dma_wait3A_127] : memref<800x128xf32, #tpu.memory_space<vmem>> -> memref<80x128xf32, #tpu.memory_space<vmem>>
      %dma_wait3A_129 = arith.constant 240 : i32
      %dma_wait3A_130 = tpu.memref_slice %arg11[%dma_wait3A_129] : memref<800xi32, #tpu.memory_space<vmem>> -> memref<80xi32, #tpu.memory_space<vmem>>
      %dma_wait3A_131 = arith.constant 0 : i32
      %dma_wait3A_132 = arith.constant 0 : i32
      %dma_wait3A_133 = tpu.memref_slice %arg7[%dma_wait3A_131, %dma_wait3A_132] : memref<2052x128xf32, #tpu.memory_space<hbm>> -> memref<2052x128xf32, #tpu.memory_space<hbm>>
      tpu.wait_indirect_dma semaphore(%arg13 : memref<!tpu.dma_semaphore, #tpu.memory_space<semaphore_mem>>) src(%dma_wait3A_133 : memref<2052x128xf32, #tpu.memory_space<hbm>>) dst(%dma_wait3A_128 : memref<80x128xf32, #tpu.memory_space<vmem>>)
      %dma_wait3A_134 = arith.constant 320 : i32
      %dma_wait3A_135 = arith.constant 0 : i32
      %dma_wait3A_136 = tpu.memref_slice %arg12[%dma_wait3A_134, %dma_wait3A_135] : memref<800x128xf32, #tpu.memory_space<vmem>> -> memref<80x128xf32, #tpu.memory_space<vmem>>
      %dma_wait3A_137 = arith.constant 320 : i32
      %dma_wait3A_138 = tpu.memref_slice %arg11[%dma_wait3A_137] : memref<800xi32, #tpu.memory_space<vmem>> -> memref<80xi32, #tpu.memory_space<vmem>>
      %dma_wait3A_139 = arith.constant 0 : i32
      %dma_wait3A_140 = arith.constant 0 : i32
      %dma_wait3A_141 = tpu.memref_slice %arg7[%dma_wait3A_139, %dma_wait3A_140] : memref<2052x128xf32, #tpu.memory_space<hbm>> -> memref<2052x128xf32, #tpu.memory_space<hbm>>
      tpu.wait_indirect_dma semaphore(%arg13 : memref<!tpu.dma_semaphore, #tpu.memory_space<semaphore_mem>>) src(%dma_wait3A_141 : memref<2052x128xf32, #tpu.memory_space<hbm>>) dst(%dma_wait3A_136 : memref<80x128xf32, #tpu.memory_space<vmem>>)
      %dma_wait3A_142 = arith.constant 400 : i32
      %dma_wait3A_143 = arith.constant 0 : i32
      %dma_wait3A_144 = tpu.memref_slice %arg12[%dma_wait3A_142, %dma_wait3A_143] : memref<800x128xf32, #tpu.memory_space<vmem>> -> memref<80x128xf32, #tpu.memory_space<vmem>>
      %dma_wait3A_145 = arith.constant 400 : i32
      %dma_wait3A_146 = tpu.memref_slice %arg11[%dma_wait3A_145] : memref<800xi32, #tpu.memory_space<vmem>> -> memref<80xi32, #tpu.memory_space<vmem>>
      %dma_wait3A_147 = arith.constant 0 : i32
      %dma_wait3A_148 = arith.constant 0 : i32
      %dma_wait3A_149 = tpu.memref_slice %arg7[%dma_wait3A_147, %dma_wait3A_148] : memref<2052x128xf32, #tpu.memory_space<hbm>> -> memref<2052x128xf32, #tpu.memory_space<hbm>>
      tpu.wait_indirect_dma semaphore(%arg13 : memref<!tpu.dma_semaphore, #tpu.memory_space<semaphore_mem>>) src(%dma_wait3A_149 : memref<2052x128xf32, #tpu.memory_space<hbm>>) dst(%dma_wait3A_144 : memref<80x128xf32, #tpu.memory_space<vmem>>)
      %dma_wait3A_150 = arith.constant 480 : i32
      %dma_wait3A_151 = arith.constant 0 : i32
      %dma_wait3A_152 = tpu.memref_slice %arg12[%dma_wait3A_150, %dma_wait3A_151] : memref<800x128xf32, #tpu.memory_space<vmem>> -> memref<80x128xf32, #tpu.memory_space<vmem>>
      %dma_wait3A_153 = arith.constant 480 : i32
      %dma_wait3A_154 = tpu.memref_slice %arg11[%dma_wait3A_153] : memref<800xi32, #tpu.memory_space<vmem>> -> memref<80xi32, #tpu.memory_space<vmem>>
      %dma_wait3A_155 = arith.constant 0 : i32
      %dma_wait3A_156 = arith.constant 0 : i32
      %dma_wait3A_157 = tpu.memref_slice %arg7[%dma_wait3A_155, %dma_wait3A_156] : memref<2052x128xf32, #tpu.memory_space<hbm>> -> memref<2052x128xf32, #tpu.memory_space<hbm>>
      tpu.wait_indirect_dma semaphore(%arg13 : memref<!tpu.dma_semaphore, #tpu.memory_space<semaphore_mem>>) src(%dma_wait3A_157 : memref<2052x128xf32, #tpu.memory_space<hbm>>) dst(%dma_wait3A_152 : memref<80x128xf32, #tpu.memory_space<vmem>>)
      %dma_wait3A_158 = arith.constant 560 : i32
      %dma_wait3A_159 = arith.constant 0 : i32
      %dma_wait3A_160 = tpu.memref_slice %arg12[%dma_wait3A_158, %dma_wait3A_159] : memref<800x128xf32, #tpu.memory_space<vmem>> -> memref<80x128xf32, #tpu.memory_space<vmem>>
      %dma_wait3A_161 = arith.constant 560 : i32
      %dma_wait3A_162 = tpu.memref_slice %arg11[%dma_wait3A_161] : memref<800xi32, #tpu.memory_space<vmem>> -> memref<80xi32, #tpu.memory_space<vmem>>
      %dma_wait3A_163 = arith.constant 0 : i32
      %dma_wait3A_164 = arith.constant 0 : i32
      %dma_wait3A_165 = tpu.memref_slice %arg7[%dma_wait3A_163, %dma_wait3A_164] : memref<2052x128xf32, #tpu.memory_space<hbm>> -> memref<2052x128xf32, #tpu.memory_space<hbm>>
      tpu.wait_indirect_dma semaphore(%arg13 : memref<!tpu.dma_semaphore, #tpu.memory_space<semaphore_mem>>) src(%dma_wait3A_165 : memref<2052x128xf32, #tpu.memory_space<hbm>>) dst(%dma_wait3A_160 : memref<80x128xf32, #tpu.memory_space<vmem>>)
      %dma_wait3A_166 = arith.constant 640 : i32
      %dma_wait3A_167 = arith.constant 0 : i32
      %dma_wait3A_168 = tpu.memref_slice %arg12[%dma_wait3A_166, %dma_wait3A_167] : memref<800x128xf32, #tpu.memory_space<vmem>> -> memref<80x128xf32, #tpu.memory_space<vmem>>
      %dma_wait3A_169 = arith.constant 640 : i32
      %dma_wait3A_170 = tpu.memref_slice %arg11[%dma_wait3A_169] : memref<800xi32, #tpu.memory_space<vmem>> -> memref<80xi32, #tpu.memory_space<vmem>>
      %dma_wait3A_171 = arith.constant 0 : i32
      %dma_wait3A_172 = arith.constant 0 : i32
      %dma_wait3A_173 = tpu.memref_slice %arg7[%dma_wait3A_171, %dma_wait3A_172] : memref<2052x128xf32, #tpu.memory_space<hbm>> -> memref<2052x128xf32, #tpu.memory_space<hbm>>
      tpu.wait_indirect_dma semaphore(%arg13 : memref<!tpu.dma_semaphore, #tpu.memory_space<semaphore_mem>>) src(%dma_wait3A_173 : memref<2052x128xf32, #tpu.memory_space<hbm>>) dst(%dma_wait3A_168 : memref<80x128xf32, #tpu.memory_space<vmem>>)
      %dma_wait3A_174 = arith.constant 720 : i32
      %dma_wait3A_175 = arith.constant 0 : i32
      %dma_wait3A_176 = tpu.memref_slice %arg12[%dma_wait3A_174, %dma_wait3A_175] : memref<800x128xf32, #tpu.memory_space<vmem>> -> memref<80x128xf32, #tpu.memory_space<vmem>>
      %dma_wait3A_177 = arith.constant 720 : i32
      %dma_wait3A_178 = tpu.memref_slice %arg11[%dma_wait3A_177] : memref<800xi32, #tpu.memory_space<vmem>> -> memref<80xi32, #tpu.memory_space<vmem>>
      %dma_wait3A_179 = arith.constant 0 : i32
      %dma_wait3A_180 = arith.constant 0 : i32
      %dma_wait3A_181 = tpu.memref_slice %arg7[%dma_wait3A_179, %dma_wait3A_180] : memref<2052x128xf32, #tpu.memory_space<hbm>> -> memref<2052x128xf32, #tpu.memory_space<hbm>>
      tpu.wait_indirect_dma semaphore(%arg13 : memref<!tpu.dma_semaphore, #tpu.memory_space<semaphore_mem>>) src(%dma_wait3A_181 : memref<2052x128xf32, #tpu.memory_space<hbm>>) dst(%dma_wait3A_176 : memref<80x128xf32, #tpu.memory_space<vmem>>)
      "tpu.region"() ({
        %run_scoped3A = tpu.sem_alloc : memref<!tpu.dma_semaphore, #tpu.memory_space<semaphore_mem>>
        %dma_start3A_182 = arith.constant 0 : i32
        %dma_start3A_183 = tpu.memref_slice %arg10[%add3A_23, %dma_start3A_182] : memref<51200x128xf32, #tpu.memory_space<hbm>> -> memref<800x128xf32, #tpu.memory_space<hbm>>
        %dma_start3A_184 = arith.constant 0 : i32
        %dma_start3A_185 = tpu.memref_slice %arg10[%add3A_23, %dma_start3A_184] : memref<51200x128xf32, #tpu.memory_space<hbm>> -> memref<800x128xf32, #tpu.memory_space<hbm>>
        tpu.enqueue_dma source(%arg12 : memref<800x128xf32, #tpu.memory_space<vmem>>) target(%dma_start3A_185 : memref<800x128xf32, #tpu.memory_space<hbm>>) target_semaphore(%run_scoped3A : memref<!tpu.dma_semaphore, #tpu.memory_space<semaphore_mem>>)
        %dma_wait3A_186 = arith.constant 0 : i32
        %dma_wait3A_187 = tpu.memref_slice %arg10[%add3A_23, %dma_wait3A_186] : memref<51200x128xf32, #tpu.memory_space<hbm>> -> memref<800x128xf32, #tpu.memory_space<hbm>>
        %dma_wait3A_188 = arith.constant 0 : i32
        %dma_wait3A_189 = tpu.memref_slice %arg10[%add3A_23, %dma_wait3A_188] : memref<51200x128xf32, #tpu.memory_space<hbm>> -> memref<800x128xf32, #tpu.memory_space<hbm>>
        tpu.wait_dma2 semaphore(%run_scoped3A : memref<!tpu.dma_semaphore, #tpu.memory_space<semaphore_mem>>) src(%arg12 : memref<800x128xf32, #tpu.memory_space<vmem>>) dst(%dma_wait3A_189 : memref<800x128xf32, #tpu.memory_space<hbm>>)
        tpu.yield
      }) : () -> ()
    }
    %scan3A_19 = arith.constant 2 : i32
    return
  }
}

module attributes {stable_mosaic.version = 14 : i64} {
  func.func @_tc_body(%arg0: i32, %arg1: memref<1x1x1024xf32, #tpu.memory_space<vmem>>, %arg2: memref<1x1x1024xf32, #tpu.memory_space<vmem>>, %arg3: memref<1x1x1024xf32, #tpu.memory_space<vmem>>, %arg4: memref<1x1x1024xf32, #tpu.memory_space<vmem>>, %arg5: memref<1x1x1024xf32, #tpu.memory_space<vmem>>, %arg6: memref<1x1x1024xf32, #tpu.memory_space<vmem>>, %arg7: memref<1x1x1024xi32, #tpu.memory_space<vmem>>, %arg8: memref<1x1x1024xi32, #tpu.memory_space<vmem>>, %arg9: memref<1024x128xf32, #tpu.memory_space<vmem>>, %arg10: memref<1024x128xf32, #tpu.memory_space<vmem>>, %arg11: memref<1024x128xf32, #tpu.memory_space<vmem>>, %arg12: memref<128x1xf32, #tpu.memory_space<vmem>>, %arg13: memref<128x1xf32, #tpu.memory_space<vmem>>, %arg14: memref<128x1xf32, #tpu.memory_space<vmem>>, %arg15: memref<128x1xf32, #tpu.memory_space<vmem>>, %arg16: memref<128x128xf32, #tpu.memory_space<vmem>>, %arg17: memref<128x128xf32, #tpu.memory_space<vmem>>, %arg18: memref<128x128xf32, #tpu.memory_space<vmem>>, %arg19: memref<1x128xf32, #tpu.memory_space<vmem>>, %arg20: memref<1x128xf32, #tpu.memory_space<vmem>>, %arg21: memref<1x128xf32, #tpu.memory_space<vmem>>, %arg22: memref<128x128xf32, #tpu.memory_space<vmem>>, %arg23: memref<1x6x1024x128xf32, #tpu.memory_space<vmem>>) attributes {dimension_semantics = [#tpu.dimension_semantics<arbitrary>], iteration_bounds = array<i64: 50>, scalar_prefetch = 0 : i64, scratch_operands = 0 : i64, tpu.core_type = #tpu.core_type<tc>, window_params = [{transform_indices = @transform_0, window_bounds = array<i64: 1, 1, 1024>}, {transform_indices = @transform_1, window_bounds = array<i64: 1, 1, 1024>}, {transform_indices = @transform_2, window_bounds = array<i64: 1, 1, 1024>}, {transform_indices = @transform_3, window_bounds = array<i64: 1, 1, 1024>}, {transform_indices = @transform_4, window_bounds = array<i64: 1, 1, 1024>}, {transform_indices = @transform_5, window_bounds = array<i64: 1, 1, 1024>}, {transform_indices = @transform_6, window_bounds = array<i64: 1, 1, 1024>}, {transform_indices = @transform_7, window_bounds = array<i64: 1, 1, 1024>}, {transform_indices = @transform_8, window_bounds = array<i64: 1024, 128>}, {transform_indices = @transform_9, window_bounds = array<i64: 1024, 128>}, {transform_indices = @transform_10, window_bounds = array<i64: 1024, 128>}, {pipeline_mode = #tpu.pipeline_mode<synchronous>, transform_indices = @transform_11, window_bounds = array<i64: 128, 1>}, {pipeline_mode = #tpu.pipeline_mode<synchronous>, transform_indices = @transform_12, window_bounds = array<i64: 128, 1>}, {pipeline_mode = #tpu.pipeline_mode<synchronous>, transform_indices = @transform_13, window_bounds = array<i64: 128, 1>}, {pipeline_mode = #tpu.pipeline_mode<synchronous>, transform_indices = @transform_14, window_bounds = array<i64: 128, 1>}, {pipeline_mode = #tpu.pipeline_mode<synchronous>, transform_indices = @transform_15, window_bounds = array<i64: 128, 128>}, {pipeline_mode = #tpu.pipeline_mode<synchronous>, transform_indices = @transform_16, window_bounds = array<i64: 128, 128>}, {pipeline_mode = #tpu.pipeline_mode<synchronous>, transform_indices = @transform_17, window_bounds = array<i64: 128, 128>}, {pipeline_mode = #tpu.pipeline_mode<synchronous>, transform_indices = @transform_18, window_bounds = array<i64: 1, 128>}, {pipeline_mode = #tpu.pipeline_mode<synchronous>, transform_indices = @transform_19, window_bounds = array<i64: 1, 128>}, {pipeline_mode = #tpu.pipeline_mode<synchronous>, transform_indices = @transform_20, window_bounds = array<i64: 1, 128>}, {pipeline_mode = #tpu.pipeline_mode<synchronous>, transform_indices = @transform_21, window_bounds = array<i64: 128, 128>}, {transform_indices = @transform_22, window_bounds = array<i64: 1, 6, 1024, 128>}]} {
    %get3A = arith.constant 0 : index
    %get3A_0 = arith.constant 0 : index
    %get3A_1 = arith.constant 0 : index
    %get3A_2 = vector.load %arg1[%get3A, %get3A_0, %get3A_1] : memref<1x1x1024xf32, #tpu.memory_space<vmem>>, vector<1x1x1024xf32>
    %get3A_3 = vector.shape_cast %get3A_2 : vector<1x1x1024xf32> to vector<1x1024xf32>
    %get3A_4 = arith.constant 0 : index
    %get3A_5 = arith.constant 0 : index
    %get3A_6 = arith.constant 0 : index
    %get3A_7 = vector.load %arg2[%get3A_4, %get3A_5, %get3A_6] : memref<1x1x1024xf32, #tpu.memory_space<vmem>>, vector<1x1x1024xf32>
    %get3A_8 = vector.shape_cast %get3A_7 : vector<1x1x1024xf32> to vector<1x1024xf32>
    %sub3A = arith.subf %get3A_3, %get3A_8 : vector<1x1024xf32>
    %get3A_9 = arith.constant 0 : index
    %get3A_10 = arith.constant 0 : index
    %get3A_11 = arith.constant 0 : index
    %get3A_12 = vector.load %arg3[%get3A_9, %get3A_10, %get3A_11] : memref<1x1x1024xf32, #tpu.memory_space<vmem>>, vector<1x1x1024xf32>
    %get3A_13 = vector.shape_cast %get3A_12 : vector<1x1x1024xf32> to vector<1x1024xf32>
    %get3A_14 = arith.constant 0 : index
    %get3A_15 = arith.constant 0 : index
    %get3A_16 = arith.constant 0 : index
    %get3A_17 = vector.load %arg4[%get3A_14, %get3A_15, %get3A_16] : memref<1x1x1024xf32, #tpu.memory_space<vmem>>, vector<1x1x1024xf32>
    %get3A_18 = vector.shape_cast %get3A_17 : vector<1x1x1024xf32> to vector<1x1024xf32>
    %sub3A_19 = arith.subf %get3A_13, %get3A_18 : vector<1x1024xf32>
    %get3A_20 = arith.constant 0 : index
    %get3A_21 = arith.constant 0 : index
    %get3A_22 = arith.constant 0 : index
    %get3A_23 = vector.load %arg5[%get3A_20, %get3A_21, %get3A_22] : memref<1x1x1024xf32, #tpu.memory_space<vmem>>, vector<1x1x1024xf32>
    %get3A_24 = vector.shape_cast %get3A_23 : vector<1x1x1024xf32> to vector<1x1024xf32>
    %get3A_25 = arith.constant 0 : index
    %get3A_26 = arith.constant 0 : index
    %get3A_27 = arith.constant 0 : index
    %get3A_28 = vector.load %arg6[%get3A_25, %get3A_26, %get3A_27] : memref<1x1x1024xf32, #tpu.memory_space<vmem>>, vector<1x1x1024xf32>
    %get3A_29 = vector.shape_cast %get3A_28 : vector<1x1x1024xf32> to vector<1x1024xf32>
    %sub3A_30 = arith.subf %get3A_24, %get3A_29 : vector<1x1024xf32>
    %get3A_31 = arith.constant 0 : index
    %get3A_32 = arith.constant 0 : index
    %get3A_33 = vector.load %arg12[%get3A_31, %get3A_32] : memref<128x1xf32, #tpu.memory_space<vmem>>, vector<128x1xf32>
    %mul3A = vector.broadcast %get3A_33 : vector<128x1xf32> to vector<128x1024xf32>
    %mul3A_34 = vector.broadcast %sub3A : vector<1x1024xf32> to vector<128x1024xf32>
    %mul3A_35 = arith.mulf %mul3A, %mul3A_34 : vector<128x1024xf32>
    %get3A_36 = arith.constant 0 : index
    %get3A_37 = arith.constant 0 : index
    %get3A_38 = vector.load %arg13[%get3A_36, %get3A_37] : memref<128x1xf32, #tpu.memory_space<vmem>>, vector<128x1xf32>
    %mul3A_39 = vector.broadcast %get3A_38 : vector<128x1xf32> to vector<128x1024xf32>
    %mul3A_40 = vector.broadcast %sub3A_19 : vector<1x1024xf32> to vector<128x1024xf32>
    %mul3A_41 = arith.mulf %mul3A_39, %mul3A_40 : vector<128x1024xf32>
    %add3A = arith.addf %mul3A_35, %mul3A_41 : vector<128x1024xf32>
    %get3A_42 = arith.constant 0 : index
    %get3A_43 = arith.constant 0 : index
    %get3A_44 = vector.load %arg14[%get3A_42, %get3A_43] : memref<128x1xf32, #tpu.memory_space<vmem>>, vector<128x1xf32>
    %mul3A_45 = vector.broadcast %get3A_44 : vector<128x1xf32> to vector<128x1024xf32>
    %mul3A_46 = vector.broadcast %sub3A_30 : vector<1x1024xf32> to vector<128x1024xf32>
    %mul3A_47 = arith.mulf %mul3A_45, %mul3A_46 : vector<128x1024xf32>
    %add3A_48 = arith.addf %add3A, %mul3A_47 : vector<128x1024xf32>
    %get3A_49 = arith.constant 0 : index
    %get3A_50 = arith.constant 0 : index
    %get3A_51 = vector.load %arg15[%get3A_49, %get3A_50] : memref<128x1xf32, #tpu.memory_space<vmem>>, vector<128x1xf32>
    %add3A_52 = vector.broadcast %get3A_51 : vector<128x1xf32> to vector<128x1024xf32>
    %add3A_53 = arith.addf %add3A_48, %add3A_52 : vector<128x1024xf32>
    %round3A = math.roundeven %add3A_53 : vector<128x1024xf32>
    %sub3A_54 = arith.subf %add3A_53, %round3A : vector<128x1024xf32>
    %mul3A_55 = arith.mulf %sub3A_54, %sub3A_54 : vector<128x1024xf32>
    %mul3A_56 = arith.constant 0.0774472877 : f32
    %mul3A_57 = vector.broadcast %mul3A_56 : f32 to vector<128x1024xf32>
    %mul3A_58 = arith.mulf %mul3A_57, %mul3A_55 : vector<128x1024xf32>
    %add3A_59 = arith.constant -0.598161638 : f32
    %add3A_60 = vector.broadcast %add3A_59 : f32 to vector<128x1024xf32>
    %add3A_61 = arith.addf %mul3A_58, %add3A_60 : vector<128x1024xf32>
    %mul3A_62 = arith.mulf %add3A_61, %mul3A_55 : vector<128x1024xf32>
    %add3A_63 = arith.constant 2.55005097 : f32
    %add3A_64 = vector.broadcast %add3A_63 : f32 to vector<128x1024xf32>
    %add3A_65 = arith.addf %mul3A_62, %add3A_64 : vector<128x1024xf32>
    %mul3A_66 = arith.mulf %add3A_65, %mul3A_55 : vector<128x1024xf32>
    %add3A_67 = arith.constant -5.16770792 : f32
    %add3A_68 = vector.broadcast %add3A_67 : f32 to vector<128x1024xf32>
    %add3A_69 = arith.addf %mul3A_66, %add3A_68 : vector<128x1024xf32>
    %mul3A_70 = arith.mulf %add3A_69, %mul3A_55 : vector<128x1024xf32>
    %add3A_71 = arith.constant 3.1415925 : f32
    %add3A_72 = vector.broadcast %add3A_71 : f32 to vector<128x1024xf32>
    %add3A_73 = arith.addf %mul3A_70, %add3A_72 : vector<128x1024xf32>
    %mul3A_74 = arith.mulf %add3A_73, %sub3A_54 : vector<128x1024xf32>
    %convert_element_type3A = arith.fptosi %round3A : vector<128x1024xf32> to vector<128x1024xi32>
    %and3A = arith.constant 1 : i32
    %and3A_75 = vector.broadcast %and3A : i32 to vector<128x1024xi32>
    %and3A_76 = arith.andi %convert_element_type3A, %and3A_75 : vector<128x1024xi32>
    %eq3A = arith.constant 1 : i32
    %eq3A_77 = vector.broadcast %eq3A : i32 to vector<128x1024xi32>
    %eq3A_78 = arith.cmpi eq, %and3A_76, %eq3A_77 : vector<128x1024xi32>
    %neg3A = arith.constant 0.000000e+00 : f32
    %neg3A_79 = vector.broadcast %neg3A : f32 to vector<128x1024xf32>
    %neg3A_80 = arith.subf %neg3A_79, %mul3A_74 : vector<128x1024xf32>
    %select_n3A = arith.select %eq3A_78, %neg3A_80, %mul3A_74 : vector<128x1024xi1>, vector<128x1024xf32>
    %get3A_81 = arith.constant 0 : index
    %get3A_82 = arith.constant 0 : index
    %get3A_83 = vector.load %arg16[%get3A_81, %get3A_82] : memref<128x128xf32, #tpu.memory_space<vmem>>, vector<128x128xf32>
    %dot_general3A = arith.constant dense<0.000000e+00> : vector<1024x128xf32>
    %dot_general3A_84 = tpu.matmul %select_n3A, %get3A_83, %dot_general3A {dimension_numbers = #tpu.dot_dimension_numbers<[0], [0], [1], [1], [0, 1, 1, 1], [], []>, transpose_lhs_hint = false} : vector<128x1024xf32>, vector<128x128xf32>, vector<1024x128xf32> -> vector<1024x128xf32>
    %get3A_85 = arith.constant 0 : index
    %get3A_86 = arith.constant 0 : index
    %get3A_87 = vector.load %arg19[%get3A_85, %get3A_86] : memref<1x128xf32, #tpu.memory_space<vmem>>, vector<1x128xf32>
    %add3A_88 = vector.broadcast %get3A_87 : vector<1x128xf32> to vector<1024x128xf32>
    %add3A_89 = arith.addf %dot_general3A_84, %add3A_88 : vector<1024x128xf32>
    %get3A_90 = arith.constant 0 : index
    %get3A_91 = arith.constant 0 : index
    %get3A_92 = vector.load %arg17[%get3A_90, %get3A_91] : memref<128x128xf32, #tpu.memory_space<vmem>>, vector<128x128xf32>
    %dot_general3A_93 = arith.constant dense<0.000000e+00> : vector<1024x128xf32>
    %dot_general3A_94 = tpu.matmul %select_n3A, %get3A_92, %dot_general3A_93 {dimension_numbers = #tpu.dot_dimension_numbers<[0], [0], [1], [1], [0, 1, 1, 1], [], []>, transpose_lhs_hint = false} : vector<128x1024xf32>, vector<128x128xf32>, vector<1024x128xf32> -> vector<1024x128xf32>
    %get3A_95 = arith.constant 0 : index
    %get3A_96 = arith.constant 0 : index
    %get3A_97 = vector.load %arg20[%get3A_95, %get3A_96] : memref<1x128xf32, #tpu.memory_space<vmem>>, vector<1x128xf32>
    %add3A_98 = vector.broadcast %get3A_97 : vector<1x128xf32> to vector<1024x128xf32>
    %add3A_99 = arith.addf %dot_general3A_94, %add3A_98 : vector<1024x128xf32>
    %get3A_100 = arith.constant 0 : index
    %get3A_101 = arith.constant 0 : index
    %get3A_102 = vector.load %arg18[%get3A_100, %get3A_101] : memref<128x128xf32, #tpu.memory_space<vmem>>, vector<128x128xf32>
    %dot_general3A_103 = arith.constant dense<0.000000e+00> : vector<1024x128xf32>
    %dot_general3A_104 = tpu.matmul %select_n3A, %get3A_102, %dot_general3A_103 {dimension_numbers = #tpu.dot_dimension_numbers<[0], [0], [1], [1], [0, 1, 1, 1], [], []>, transpose_lhs_hint = false} : vector<128x1024xf32>, vector<128x128xf32>, vector<1024x128xf32> -> vector<1024x128xf32>
    %get3A_105 = arith.constant 0 : index
    %get3A_106 = arith.constant 0 : index
    %get3A_107 = vector.load %arg21[%get3A_105, %get3A_106] : memref<1x128xf32, #tpu.memory_space<vmem>>, vector<1x128xf32>
    %add3A_108 = vector.broadcast %get3A_107 : vector<1x128xf32> to vector<1024x128xf32>
    %add3A_109 = arith.addf %dot_general3A_104, %add3A_108 : vector<1024x128xf32>
    %iota3A = tpu.iota {dimensions = array<i32: 0>} : vector<128x1024xi32>
    %get3A_110 = arith.constant 0 : index
    %get3A_111 = arith.constant 0 : index
    %get3A_112 = arith.constant 0 : index
    %get3A_113 = vector.load %arg7[%get3A_110, %get3A_111, %get3A_112] : memref<1x1x1024xi32, #tpu.memory_space<vmem>>, vector<1x1x1024xi32>
    %get3A_114 = vector.shape_cast %get3A_113 : vector<1x1x1024xi32> to vector<1x1024xi32>
    %eq3A_115 = vector.broadcast %get3A_114 : vector<1x1024xi32> to vector<128x1024xi32>
    %eq3A_116 = arith.cmpi eq, %iota3A, %eq3A_115 : vector<128x1024xi32>
    %convert_element_type3A_117 = arith.extui %eq3A_116 : vector<128x1024xi1> to vector<128x1024xi32>
    %convert_element_type3A_118 = arith.sitofp %convert_element_type3A_117 : vector<128x1024xi32> to vector<128x1024xf32>
    %get3A_119 = arith.constant 0 : index
    %get3A_120 = arith.constant 0 : index
    %get3A_121 = arith.constant 0 : index
    %get3A_122 = vector.load %arg8[%get3A_119, %get3A_120, %get3A_121] : memref<1x1x1024xi32, #tpu.memory_space<vmem>>, vector<1x1x1024xi32>
    %get3A_123 = vector.shape_cast %get3A_122 : vector<1x1x1024xi32> to vector<1x1024xi32>
    %add3A_124 = arith.constant 64 : i32
    %add3A_125 = vector.broadcast %add3A_124 : i32 to vector<1x1024xi32>
    %add3A_126 = arith.addi %get3A_123, %add3A_125 : vector<1x1024xi32>
    %eq3A_127 = vector.broadcast %add3A_126 : vector<1x1024xi32> to vector<128x1024xi32>
    %eq3A_128 = arith.cmpi eq, %iota3A, %eq3A_127 : vector<128x1024xi32>
    %convert_element_type3A_129 = arith.extui %eq3A_128 : vector<128x1024xi1> to vector<128x1024xi32>
    %convert_element_type3A_130 = arith.sitofp %convert_element_type3A_129 : vector<128x1024xi32> to vector<128x1024xf32>
    %add3A_131 = arith.addf %convert_element_type3A_118, %convert_element_type3A_130 : vector<128x1024xf32>
    %get3A_132 = arith.constant 0 : index
    %get3A_133 = arith.constant 0 : index
    %get3A_134 = vector.load %arg22[%get3A_132, %get3A_133] : memref<128x128xf32, #tpu.memory_space<vmem>>, vector<128x128xf32>
    %dot_general3A_135 = arith.constant dense<0.000000e+00> : vector<1024x128xf32>
    %dot_general3A_136 = tpu.matmul %add3A_131, %get3A_134, %dot_general3A_135 {dimension_numbers = #tpu.dot_dimension_numbers<[0], [0], [1], [1], [0, 1, 1, 1], [], []>, transpose_lhs_hint = false} : vector<128x1024xf32>, vector<128x128xf32>, vector<1024x128xf32> -> vector<1024x128xf32>
    %add3A_137 = arith.addf %add3A_109, %dot_general3A_136 : vector<1024x128xf32>
    %get3A_138 = arith.constant 0 : index
    %get3A_139 = arith.constant 0 : index
    %get3A_140 = vector.load %arg9[%get3A_138, %get3A_139] : memref<1024x128xf32, #tpu.memory_space<vmem>>, vector<1024x128xf32>
    %swap3A = arith.constant 0 : index
    %swap3A_141 = arith.constant 0 : index
    %swap3A_142 = arith.constant 0 : index
    %swap3A_143 = arith.constant 0 : index
    %swap3A_144 = vector.load %arg23[%swap3A, %swap3A_141, %swap3A_142, %swap3A_143] : memref<1x6x1024x128xf32, #tpu.memory_space<vmem>>, vector<1x1x1024x128xf32>
    %swap3A_145 = vector.shape_cast %swap3A_144 : vector<1x1x1024x128xf32> to vector<1024x128xf32>
    %swap3A_146 = vector.shape_cast %get3A_140 : vector<1024x128xf32> to vector<1x1x1024x128xf32>
    tpu.vector_store %arg23[%swap3A, %swap3A_141, %swap3A_142, %swap3A_143], %swap3A_146 {strides = array<i32>} : memref<1x6x1024x128xf32, #tpu.memory_space<vmem>>, vector<1x1x1024x128xf32>,
    %get3A_147 = arith.constant 0 : index
    %get3A_148 = arith.constant 0 : index
    %get3A_149 = vector.load %arg10[%get3A_147, %get3A_148] : memref<1024x128xf32, #tpu.memory_space<vmem>>, vector<1024x128xf32>
    %swap3A_150 = arith.constant 0 : index
    %swap3A_151 = arith.constant 1 : index
    %swap3A_152 = arith.constant 0 : index
    %swap3A_153 = arith.constant 0 : index
    %swap3A_154 = vector.load %arg23[%swap3A_150, %swap3A_151, %swap3A_152, %swap3A_153] : memref<1x6x1024x128xf32, #tpu.memory_space<vmem>>, vector<1x1x1024x128xf32>
    %swap3A_155 = vector.shape_cast %swap3A_154 : vector<1x1x1024x128xf32> to vector<1024x128xf32>
    %swap3A_156 = vector.shape_cast %get3A_149 : vector<1024x128xf32> to vector<1x1x1024x128xf32>
    tpu.vector_store %arg23[%swap3A_150, %swap3A_151, %swap3A_152, %swap3A_153], %swap3A_156 {strides = array<i32>} : memref<1x6x1024x128xf32, #tpu.memory_space<vmem>>, vector<1x1x1024x128xf32>,
    %swap3A_157 = arith.constant 0 : index
    %swap3A_158 = arith.constant 2 : index
    %swap3A_159 = arith.constant 0 : index
    %swap3A_160 = arith.constant 0 : index
    %swap3A_161 = vector.load %arg23[%swap3A_157, %swap3A_158, %swap3A_159, %swap3A_160] : memref<1x6x1024x128xf32, #tpu.memory_space<vmem>>, vector<1x1x1024x128xf32>
    %swap3A_162 = vector.shape_cast %swap3A_161 : vector<1x1x1024x128xf32> to vector<1024x128xf32>
    %swap3A_163 = vector.shape_cast %add3A_89 : vector<1024x128xf32> to vector<1x1x1024x128xf32>
    tpu.vector_store %arg23[%swap3A_157, %swap3A_158, %swap3A_159, %swap3A_160], %swap3A_163 {strides = array<i32>} : memref<1x6x1024x128xf32, #tpu.memory_space<vmem>>, vector<1x1x1024x128xf32>,
    %swap3A_164 = arith.constant 0 : index
    %swap3A_165 = arith.constant 3 : index
    %swap3A_166 = arith.constant 0 : index
    %swap3A_167 = arith.constant 0 : index
    %swap3A_168 = vector.load %arg23[%swap3A_164, %swap3A_165, %swap3A_166, %swap3A_167] : memref<1x6x1024x128xf32, #tpu.memory_space<vmem>>, vector<1x1x1024x128xf32>
    %swap3A_169 = vector.shape_cast %swap3A_168 : vector<1x1x1024x128xf32> to vector<1024x128xf32>
    %swap3A_170 = vector.shape_cast %add3A_99 : vector<1024x128xf32> to vector<1x1x1024x128xf32>
    tpu.vector_store %arg23[%swap3A_164, %swap3A_165, %swap3A_166, %swap3A_167], %swap3A_170 {strides = array<i32>} : memref<1x6x1024x128xf32, #tpu.memory_space<vmem>>, vector<1x1x1024x128xf32>,
    %get3A_171 = arith.constant 0 : index
    %get3A_172 = arith.constant 0 : index
    %get3A_173 = vector.load %arg11[%get3A_171, %get3A_172] : memref<1024x128xf32, #tpu.memory_space<vmem>>, vector<1024x128xf32>
    %swap3A_174 = arith.constant 0 : index
    %swap3A_175 = arith.constant 4 : index
    %swap3A_176 = arith.constant 0 : index
    %swap3A_177 = arith.constant 0 : index
    %swap3A_178 = vector.load %arg23[%swap3A_174, %swap3A_175, %swap3A_176, %swap3A_177] : memref<1x6x1024x128xf32, #tpu.memory_space<vmem>>, vector<1x1x1024x128xf32>
    %swap3A_179 = vector.shape_cast %swap3A_178 : vector<1x1x1024x128xf32> to vector<1024x128xf32>
    %swap3A_180 = vector.shape_cast %get3A_173 : vector<1024x128xf32> to vector<1x1x1024x128xf32>
    tpu.vector_store %arg23[%swap3A_174, %swap3A_175, %swap3A_176, %swap3A_177], %swap3A_180 {strides = array<i32>} : memref<1x6x1024x128xf32, #tpu.memory_space<vmem>>, vector<1x1x1024x128xf32>,
    %swap3A_181 = arith.constant 0 : index
    %swap3A_182 = arith.constant 5 : index
    %swap3A_183 = arith.constant 0 : index
    %swap3A_184 = arith.constant 0 : index
    %swap3A_185 = vector.load %arg23[%swap3A_181, %swap3A_182, %swap3A_183, %swap3A_184] : memref<1x6x1024x128xf32, #tpu.memory_space<vmem>>, vector<1x1x1024x128xf32>
    %swap3A_186 = vector.shape_cast %swap3A_185 : vector<1x1x1024x128xf32> to vector<1024x128xf32>
    %swap3A_187 = vector.shape_cast %add3A_137 : vector<1024x128xf32> to vector<1x1x1024x128xf32>
    tpu.vector_store %arg23[%swap3A_181, %swap3A_182, %swap3A_183, %swap3A_184], %swap3A_187 {strides = array<i32>} : memref<1x6x1024x128xf32, #tpu.memory_space<vmem>>, vector<1x1x1024x128xf32>,
    return
  }
  func.func @transform_0(%arg0: i32) -> (i32, i32, i32) {
    %c0_i32 = arith.constant 0 : i32
    %c0_i32_0 = arith.constant 0 : i32
    %c0_i32_1 = arith.constant 0 : i32
    return %arg0, %c0_i32, %c0_i32_0 : i32, i32, i32
  }
  func.func @transform_1(%arg0: i32) -> (i32, i32, i32) {
    %c0_i32 = arith.constant 0 : i32
    %c0_i32_0 = arith.constant 0 : i32
    %c0_i32_1 = arith.constant 0 : i32
    return %arg0, %c0_i32, %c0_i32_0 : i32, i32, i32
  }
  func.func @transform_2(%arg0: i32) -> (i32, i32, i32) {
    %c0_i32 = arith.constant 0 : i32
    %c0_i32_0 = arith.constant 0 : i32
    %c0_i32_1 = arith.constant 0 : i32
    return %arg0, %c0_i32, %c0_i32_0 : i32, i32, i32
  }
  func.func @transform_3(%arg0: i32) -> (i32, i32, i32) {
    %c0_i32 = arith.constant 0 : i32
    %c0_i32_0 = arith.constant 0 : i32
    %c0_i32_1 = arith.constant 0 : i32
    return %arg0, %c0_i32, %c0_i32_0 : i32, i32, i32
  }
  func.func @transform_4(%arg0: i32) -> (i32, i32, i32) {
    %c0_i32 = arith.constant 0 : i32
    %c0_i32_0 = arith.constant 0 : i32
    %c0_i32_1 = arith.constant 0 : i32
    return %arg0, %c0_i32, %c0_i32_0 : i32, i32, i32
  }
  func.func @transform_5(%arg0: i32) -> (i32, i32, i32) {
    %c0_i32 = arith.constant 0 : i32
    %c0_i32_0 = arith.constant 0 : i32
    %c0_i32_1 = arith.constant 0 : i32
    return %arg0, %c0_i32, %c0_i32_0 : i32, i32, i32
  }
  func.func @transform_6(%arg0: i32) -> (i32, i32, i32) {
    %c0_i32 = arith.constant 0 : i32
    %c0_i32_0 = arith.constant 0 : i32
    %c0_i32_1 = arith.constant 0 : i32
    return %arg0, %c0_i32, %c0_i32_0 : i32, i32, i32
  }
  func.func @transform_7(%arg0: i32) -> (i32, i32, i32) {
    %c0_i32 = arith.constant 0 : i32
    %c0_i32_0 = arith.constant 0 : i32
    %c0_i32_1 = arith.constant 0 : i32
    return %arg0, %c0_i32, %c0_i32_0 : i32, i32, i32
  }
  func.func @transform_8(%arg0: i32) -> (i32, i32) {
    %c0_i32 = arith.constant 0 : i32
    %c0_i32_0 = arith.constant 0 : i32
    return %arg0, %c0_i32 : i32, i32
  }
  func.func @transform_9(%arg0: i32) -> (i32, i32) {
    %c0_i32 = arith.constant 0 : i32
    %c0_i32_0 = arith.constant 0 : i32
    return %arg0, %c0_i32 : i32, i32
  }
  func.func @transform_10(%arg0: i32) -> (i32, i32) {
    %c0_i32 = arith.constant 0 : i32
    %c0_i32_0 = arith.constant 0 : i32
    return %arg0, %c0_i32 : i32, i32
  }
  func.func @transform_11(%arg0: i32) -> (i32, i32) {
    %c0_i32 = arith.constant 0 : i32
    %c0_i32_0 = arith.constant 0 : i32
    %c0_i32_1 = arith.constant 0 : i32
    return %c0_i32, %c0_i32_0 : i32, i32
  }
  func.func @transform_12(%arg0: i32) -> (i32, i32) {
    %c0_i32 = arith.constant 0 : i32
    %c0_i32_0 = arith.constant 0 : i32
    %c0_i32_1 = arith.constant 0 : i32
    return %c0_i32, %c0_i32_0 : i32, i32
  }
  func.func @transform_13(%arg0: i32) -> (i32, i32) {
    %c0_i32 = arith.constant 0 : i32
    %c0_i32_0 = arith.constant 0 : i32
    %c0_i32_1 = arith.constant 0 : i32
    return %c0_i32, %c0_i32_0 : i32, i32
  }
  func.func @transform_14(%arg0: i32) -> (i32, i32) {
    %c0_i32 = arith.constant 0 : i32
    %c0_i32_0 = arith.constant 0 : i32
    %c0_i32_1 = arith.constant 0 : i32
    return %c0_i32, %c0_i32_0 : i32, i32
  }
  func.func @transform_15(%arg0: i32) -> (i32, i32) {
    %c0_i32 = arith.constant 0 : i32
    %c0_i32_0 = arith.constant 0 : i32
    %c0_i32_1 = arith.constant 0 : i32
    return %c0_i32, %c0_i32_0 : i32, i32
  }
  func.func @transform_16(%arg0: i32) -> (i32, i32) {
    %c0_i32 = arith.constant 0 : i32
    %c0_i32_0 = arith.constant 0 : i32
    %c0_i32_1 = arith.constant 0 : i32
    return %c0_i32, %c0_i32_0 : i32, i32
  }
  func.func @transform_17(%arg0: i32) -> (i32, i32) {
    %c0_i32 = arith.constant 0 : i32
    %c0_i32_0 = arith.constant 0 : i32
    %c0_i32_1 = arith.constant 0 : i32
    return %c0_i32, %c0_i32_0 : i32, i32
  }
  func.func @transform_18(%arg0: i32) -> (i32, i32) {
    %c0_i32 = arith.constant 0 : i32
    %c0_i32_0 = arith.constant 0 : i32
    %c0_i32_1 = arith.constant 0 : i32
    return %c0_i32, %c0_i32_0 : i32, i32
  }
  func.func @transform_19(%arg0: i32) -> (i32, i32) {
    %c0_i32 = arith.constant 0 : i32
    %c0_i32_0 = arith.constant 0 : i32
    %c0_i32_1 = arith.constant 0 : i32
    return %c0_i32, %c0_i32_0 : i32, i32
  }
  func.func @transform_20(%arg0: i32) -> (i32, i32) {
    %c0_i32 = arith.constant 0 : i32
    %c0_i32_0 = arith.constant 0 : i32
    %c0_i32_1 = arith.constant 0 : i32
    return %c0_i32, %c0_i32_0 : i32, i32
  }
  func.func @transform_21(%arg0: i32) -> (i32, i32) {
    %c0_i32 = arith.constant 0 : i32
    %c0_i32_0 = arith.constant 0 : i32
    %c0_i32_1 = arith.constant 0 : i32
    return %c0_i32, %c0_i32_0 : i32, i32
  }
  func.func @transform_22(%arg0: i32) -> (i32, i32, i32, i32) {
    %c0_i32 = arith.constant 0 : i32
    %c0_i32_0 = arith.constant 0 : i32
    %c0_i32_1 = arith.constant 0 : i32
    %c0_i32_2 = arith.constant 0 : i32
    return %arg0, %c0_i32, %c0_i32_0, %c0_i32_1 : i32, i32, i32, i32
  }
}

</mosaic_0001>

<sc_bundles>
// kernel: kernel.4.cloned.1.call-start
scs
__scs_entry_jumppad:
0x0: {  	(pc) =	sbr.rel $0x88, $3  }
0x1: {  	(tag) =	ssettag $0x0;
	lr =	simm.s32 $0x1  }
0x2: {  	[smem:$0x3F8B] =	sst lr;
	_ =	strace $0xD0000000  }
0x3: {  	_ = 	snop  }
0x4: {  	_ = 	snop  }
0x5: {  	_ = 	snop  }
0x6: {  	_ = 	snop  }
0x7: {  	_ = 	snop  }
__scs_overlays_trampoline_lowered:
0x8: {  	[smem:$0x3F9A] =	sst s0  }
0x9: {  	[smem:$0x3F9B] =	sst s1  }
0xa: {  	[smem:$0x3F9C] =	sst s2  }
0xb: {  	[smem:$0x3F9D] =	sst s3  }
0xc: {  	[smem:$0x3F9E] =	sst s4  }
0xd: {  	[smem:$0x3F9F] =	sst s5  }
0xe: {  	[smem:$0x3FA0] =	sst s6  }
0xf: {  	[smem:$0x3FA1] =	sst s7  }
0x10: {  	[smem:$0x3FA2] =	sst s8  }
0x11: {  	[smem:$0x3FA3] =	sst s9;
	s0 =	simm.s32 @!p0 $0x0  }
0x12: {  	s1 =	sld [smem:$0x3F89];
	s0 =	simm.s32 @p0 $0x1  }
0x13: {  	[smem:$0x3FA4] =	sst s0;
	s0 =	simm.s32 @!p1 $0x0  }
0x14: {  	s2 =	sld [smem:$0x3F88];
	s0 =	simm.s32 @p1 $0x1  }
0x15: {  	[smem:$0x3FA5] =	sst s0;
	s0 =	simm.s32 @!p2 $0x0  }
0x16: {  	s3 =	sld [smem:$0x3FDB];
	s0 =	simm.s32 @p2 $0x1  }
0x17: {  	s4 =	simm.s32 $0x1BF5;
	[smem:$0x3FA7] =	sst s0  }
0x18: {  	s0 =	sld [smem:$0x3F8A];
	_ =	swait.ge [sflag:s4], $0x0  }
0x19: {  	s7 =	sld [smem:$0x3F8B]  }
0x1a: {  	s8 =	sadd.s32 $0xFFFFE003, lr  }
0x1b: {  	s9 =	sadd.s32 $0xFFFFFEF7, lr;
	s5 =	simm.s32 $0xFFFFFFFF;
	p2 =	slt.u32 s8, $0xFFFFF086  }
0x1c: {  	p1 =	slt.u32 s9, $0xF7A;
	s5 =	simm.s32 @!p2 $0x0  }
0x1d: {  	s5 =	simm.s32 @p1 $0x1;
	p0 =	seq.s32 s7, s2  }
0x1e: {  	s7 =	smul.u32 @!p0 $0xF7A, s2;
	p2 =	seq.s32 @!p0 s5, $0x0  }
0x1f: {  	s9 =	smul.u32 $0xF7A, s1;
	s8 =	simm.s32 @!p0 $0x1BF5;
	p2 =	por !p2, p0  }
0x20: {  	[sflag:s8] =	ssyncset.s32 @!p0 $0xFFFFF086;
	s6 =	sadd.s32 @!p0 s3, s7;
	s7 =	simm.s32 @!p0 $0x108  }
0x21: {  	s3 =	sadd.s32 s3, s9;
	s6 =	sadd.s32 @!p0 $0x88, s6;
	s7 =	simm.s32 @p2 $0x1082  }
0x22: {  	[simem:s7], [sflag:s8] =	dma.local @!p0 [hbm:s6], $0xF7A  }
0x23: {  	s9 =	sor.u32 $0xD0000000, s2;
	s6 =	simm.s32 $0x108;
	_ =	swait.ge @!p0 [sflag:s8], $0x0  }
0x24: {  	s3 =	sadd.s32 $0x88, s3;
	s6 =	simm.s32 @!p1 $0x1082;
	[sflag:s4] =	ssyncset.s32 $0xFFFFF086  }
0x25: {  	[simem:s6], [sflag:s4] =	dma.local [hbm:s3], $0xF7A  }
0x26: {  	[smem:$0x3F8B] =	sst s1;
	(tag) =	ssettag s2;
	_ =	strace s9  }
0x27: {  	s1 =	sld [smem:$0x3F9B]  }
0x28: {  	s2 =	sld [smem:$0x3F9C]  }
0x29: {  	s4 =	sld [smem:$0x3F9E]  }
0x2a: {  	p0 =	seq.s32 s5, $0x0;
	s5 =	sld [smem:$0x3F9F]  }
0x2b: {  	s6 =	sld [smem:$0x3FA0]  }
0x2c: {  	s7 =	sld [smem:$0x3FA1]  }
0x2d: {  	s3 =	simm.s32 $0x108;
	s8 =	sld [smem:$0x3FA2]  }
0x2e: {  	s3 =	simm.s32 @!p0 $0x1082;
	s9 =	sld [smem:$0x3FA3]  }
0x2f: {  	lr =	sadd.s32 s0, s3;
	s0 =	sld [smem:$0x3F9A]  }
0x30: {  	s3 =	sld [smem:$0x3F9D]  }
0x31: {  	[smem:$0x3FA6] =	sst s10  }
0x32: {  	s10 =	sld [smem:$0x3FA4];
	_ =	sdelay $0x3  }
0x33: {  	p0 =	seq.s32 s10, $0x1;
	s10 =	sld [smem:$0x3FA6];
	_ =	sdelay $0x3  }
0x34: {  	[smem:$0x3FA6] =	sst s10  }
0x35: {  	s10 =	sld [smem:$0x3FA5];
	_ =	sdelay $0x3  }
0x36: {  	p1 =	seq.s32 s10, $0x1;
	s10 =	sld [smem:$0x3FA6];
	_ =	sdelay $0x3  }
0x37: {  	[smem:$0x3FA6] =	sst s10  }
0x38: {  	s10 =	sld [smem:$0x3FA7]  }
0x39: {  	_ = 	snop;
	(pc) =	sbr.ind lr, $3  }
0x3a: {  	_ = 	snop  }
0x3b: {  	_ = 	snop  }
0x3c: {  	p2 =	seq.s32 s10, $0x1;
	s10 =	sld [smem:$0x3FA6]  }
0x3d: {  	_ =	shalt  }
0x3e: {  	_ =	shalt  }
0x3f: {  	_ =	shalt  }
0x40: {  	_ =	shalt  }
0x41: {  	_ =	shalt  }
0x42: {  	_ =	shalt  }
0x43: {  	_ =	shalt  }
0x44: {  	_ =	shalt  }
0x45: {  	_ =	shalt  }
0x46: {  	_ =	shalt  }
0x47: {  	_ =	shalt  }
0x48: {  	_ =	shalt  }
0x49: {  	_ =	shalt  }
0x4a: {  	_ =	shalt  }
0x4b: {  	_ =	shalt  }
0x4c: {  	_ =	shalt  }
0x4d: {  	_ =	shalt  }
0x4e: {  	_ =	shalt  }
0x4f: {  	_ =	shalt  }
0x50: {  	_ =	shalt  }
0x51: {  	_ =	shalt  }
0x52: {  	_ =	shalt  }
0x53: {  	_ =	shalt  }
0x54: {  	_ =	shalt  }
0x55: {  	_ =	shalt  }
0x56: {  	_ =	shalt  }
0x57: {  	_ =	shalt  }
0x58: {  	_ =	shalt  }
0x59: {  	_ =	shalt  }
0x5a: {  	_ =	shalt  }
0x5b: {  	_ =	shalt  }
0x5c: {  	_ =	shalt  }
0x5d: {  	_ =	shalt  }
0x5e: {  	_ =	shalt  }
0x5f: {  	_ =	shalt  }
0x60: {  	_ =	shalt  }
0x61: {  	_ =	shalt  }
0x62: {  	_ =	shalt  }
0x63: {  	_ =	shalt  }
0x64: {  	_ =	shalt  }
0x65: {  	_ =	shalt  }
0x66: {  	_ =	shalt  }
0x67: {  	_ =	shalt  }
0x68: {  	_ =	shalt  }
0x69: {  	_ =	shalt  }
0x6a: {  	_ =	shalt  }
0x6b: {  	_ =	shalt  }
0x6c: {  	_ =	shalt  }
0x6d: {  	_ =	shalt  }
0x6e: {  	_ =	shalt  }
0x6f: {  	_ =	shalt  }
0x70: {  	_ =	shalt  }
0x71: {  	_ =	shalt  }
0x72: {  	_ =	shalt  }
0x73: {  	_ =	shalt  }
0x74: {  	_ =	shalt  }
0x75: {  	_ =	shalt  }
0x76: {  	_ =	shalt  }
0x77: {  	_ =	shalt  }
0x78: {  	_ =	shalt  }
0x79: {  	_ =	shalt  }
0x7a: {  	_ =	shalt  }
0x7b: {  	_ =	shalt  }
0x7c: {  	_ =	shalt  }
0x7d: {  	_ =	shalt  }
0x7e: {  	_ =	shalt  }
0x7f: {  	_ =	shalt  }
0x80: {  	_ =	shalt  }
0x81: {  	_ =	shalt  }
0x82: {  	_ =	shalt  }
0x83: {  	_ =	shalt  }
0x84: {  	_ =	shalt  }
0x85: {  	_ =	shalt  }
0x86: {  	_ =	shalt  }
0x87: {  	_ =	shalt  }
.Lfunc_end0:
.L_simem_size_0:
called_computation_lowered:
.L_overlay_start_0:
0x88: {  	s2 =	sld [smem:$0x3FD9]  }
0x89: {  	s3 =	sld [smem:$0x3FFE];
	_ =	sdelay $0x1  }
0x8a: {  	s1 =	srdreg.scid  }
0x8b: {  	s0 =	sand.u32 $0x1, s1  }
0x8c: {  	s17 =	sshll.u32 s0, $0xA;
	s2 =	sadd.s32 s3, s2  }
0x8d: {  	s2 =	sadd.s32 s2, s17  }
0x8e: {  	[smem:$0x3FB2] =	sst s2  }
0x8f: {  	_ = 	snop  }
0x90: {  	s2 =	sld [smem:$0x3FBE]  }
0x91: {  	s18 =	sld [smem:$0x3FBD]  }
0x92: {  	s4 =	sld [smem:$0x3FB8]  }
0x93: {  	s5 =	sld [smem:$0x3FD0];
	(tm) =	ssettm $0x1  }
0x94: {  	s6 =	sld [smem:$0x3FFB];
	_ =	sdelay $0x3  }
0x95: {  	_ =	strace s6  }
0x96: {  	s6 =	sld [smem:$0x3FFC];
	_ =	sdelay $0x3  }
0x97: {  	_ =	strace s6  }
0x98: {  	s6 =	sld [smem:$0x3FFD];
	_ =	sdelay $0x3  }
0x99: {  	_ =	strace s6  }
0x9a: {  	_ =	strace $0x8FFFFFFF  }
0x9b: {  	s19 =	sld [smem:$0x3FDB];
	_ =	sdelay $0x1  }
0x9c: {  	s7 =	simm.s32 $_scs_section_size  }
0x9d: {  	s8 =	simm.s32 $_size__tile_overlayer_lowered;
	s9 =	simm.s32 $_tile_overlayer_lowered  }
0x9e: {  	s22 =	simm.s32 $0x1BFF;
	s21 =	sshll.u32 s9, $0x1;
	s6 =	sadd.s32 s7, s19  }
0x9f: {  	s10 =	simm.s32 $0x0;
	s20 =	sshll.u32 s8, $0x1;
	s8 =	sadd.s32 s21, s6  }
0xa0: {  	[timem:s10], [sflag:s22] =	dma.local [hbm:s8], s20  }
0xa1: {  	_ =	swait.ge [sflag:s22], s20  }
0xa2: {  	s7 =	ssub.s32 $0x0, s20;
	[sflag:s22] =	ssyncset.done $0x0  }
0xa3: {  	[sflag:s22] =	ssyncadd.s32 s7;
	_ =	sdelay $0x1  }
0xa4: {  	s23 =	simm.s32 $0x1B8B  }
0xa5: {  	_ =	swait.ge [sflag:s23], $0x1  }
0xa6: {  	[sflag:s23] =	ssyncset.done $0x0  }
0xa7: {  	s25 =	simm.s32 $0x1B8E;
	s24 =	sld [smem:$0x3FFE];
	[sflag:s23] =	ssyncadd.s32 $0xFFFFFFFF  }
0xa8: {  	s26 =	simm.s32 $execute0_lowered;
	[smem:$0x3FD2] =	sst s25  }
0xa9: {  	s8 =	sshll.u32 s26, $0x1;
	_ =	strace $0x80000046;
	[dreg:$0x1] =	wrdreg $0xFFFFFFFF  }
0xaa: {  	s28 =	simm.s32 $_size_execute0_lowered;
	s6 =	sadd.s32 s6, s8;
	[dreg:$0x0] =	wrdreg $0x0  }
0xab: {  	s8 =	sshll.u32 s28, $0x1;
	[dreg:$0x2] =	wrdreg s6  }
0xac: {  	[dreg:$0x3] =	wrdreg s8  }
0xad: {  	[dreg:$0x4] =	wrdreg $0xC0  }
0xae: {  	_ =	task [dreg:s10], $0x5FFFF  }
0xaf: {  	[dreg:$0x1] =	wrdreg $0xFFFFFFFF  }
0xb0: {  	[dreg:$0x0] =	wrdreg $0x60  }
0xb1: {  	[dreg:$0x2] =	wrdreg s5  }
0xb2: {  	[dreg:$0x3] =	wrdreg s24  }
0xb3: {  	[dreg:$0x4] =	wrdreg s2  }
0xb4: {  	[dreg:$0x5] =	wrdreg s18  }
0xb5: {  	[dreg:$0x6] =	wrdreg s4  }
0xb6: {  	[dreg:$0x7] =	wrdreg $0x9  }
0xb7: {  	_ =	task.clear_ibuf [dreg:s10], $0x8FFFF;
	_ =	strace $0x90000046  }
0xb8: {  	s29 =	simm.s32 $0x9;
	_ =	strace $0x80000048  }
0xb9: {  	_ =	swait.ge [sflag:s29], $0x1  }
0xba: {  	[sflag:s29] =	ssyncadd.s32 $0xFFFFFFFF  }
0xbb: {  	_ =	strace $0x90000048  }
0xbc: {  	_ =	sfence  }
0xbd: {  	s30 =	sld [smem:$0x0];
	_ =	sdelay $0x2  }
0xbe: {  	s31 =	sshll.u32 s1, $0xD;
	s1 =	sshrl.u32 s1, $0x2  }
0xbf: {  	s3 =	sand.u32 $0x4000, s31;
	s1 =	sadd.s32 s1, s30  }
0xc0: {  	s0 =	sor.u32 s3, s0;
	s1 =	sshll.u32 s1, $0x11  }
0xc1: {  	s0 =	sor.u32 s1, s0  }
0xc2: {  	s0 =	sadd.s32 $0x8F2B, s0  }
0xc3: {  	[sflag:s0] =	ssyncadd.remote.s32 $0x1  }
0xc4: {  	_ =	sfence.sel $0xFFFF  }
0xc5: {  	[dreg:$0x0] =	wrdreg $0xFFFFFFFF;
	(pc) =	sbr.abs _section_cstart, $3  }
0xc6: {  	[dreg:$0x1] =	wrdreg $0xFFFFFFFF  }
0xc7: {  	_ =	task.clear_ibuf [dreg:s10], $0x2FFFF;
	_ =	strace $0x9FFFFFFF  }
0xc8: {  	(tm) =	ssettm $0x7FFFFFFF  }
0xc9: {  	_ =	shalt  }
tec
execute0_lowered:
.L_overlay_start_1:
0x0: {  	(tag) =	ssettag $0x1  }
0x1: {  	s0 =	rddreg [dreg:$0x0]  }
0x2: {  	s1 =	rddreg [dreg:$0x1]  }
0x3: {  	s31 =	rddreg [dreg:$0x2]  }
0x4: {  	s29 =	rddreg [dreg:$0x3];
	s2 =	srdreg.scid  }
0x5: {  	s5 =	stileid.u32;
	s3 =	rddreg [dreg:$0x4];
	s14 =	simm.s32 $0x7B80  }
0x6: {  	s15 =	simm.s32 $0x140;
	s17 =	simm.s32 $0xA380;
	s18 =	simm.s32 $0x190  }
0x7: {  	s19 =	simm.s32 $0xCB80;
	p0 =	por $0x0, $0x0;
	s28 =	simm.s32 $0x16B80  }
0x8: {  	s4 =	sand.u32 $0x1, s2;
	s5 =	sshll.u32 s5, $0x1;
	s2 =	simm.s32 $0x0  }
0x9: {  	s7 =	sadd.s32 $0x3200, s1;
	s8 =	sadd.s32 $0x4C00, s1;
	s9 =	sadd.s32 $0x6600, s1  }
0xa: {  	s10 =	sadd.s32 $0xCE600, s1;
	s1 =	sadd.s32 $0x196600, s1;
	s5 =	sor.u32 s4, s5  }
0xb: {  	[smem:$0x7FF] =	sst s2;
	s4 =	ssub.s32 $0x2, s4;
	s6 =	smul.u32 $0x640, s5  }
0xc: {  	_ =	strace $0x80000047;
	s5 =	smul.u32 $0x6400, s5;
	s23 =	sshrl.u32 s4, $0x1  }
0xd: {  	s4 =	ssub.s32 s4, s23;
	s11 =	sshrl.u32 s6, $0x3;
	s6 =	sadd.s32 $0x320, s6  }
0xe: {  	s21 =	sadd.s32 s9, s5;
	s25 =	sadd.s32 s10, s5;
	s23 =	smax.u32 s4, $0x1  }
0xf: {  	s16 =	sadd.s32 s1, s5;
	s4 =	simm.s32 $0x2;
	s12 =	sadd.s32 s8, s11  }
0x10: {  	s20 =	sadd.s32 s0, s11;
	s13 =	sshrl.u32 s6, $0x3;
	[dreg:$0x8] =	wrdreg s21  }
0x11: {  	s6 =	sshll.u32 s6, $0x4;
	s24 =	sadd.s32 s7, s11;
	[dreg:$0xc] =	wrdreg s25  }
0x12: {  	s11 =	simm.s32 $0xA0;
	s21 =	simm.s32 $0xF380;
	[dreg:$0x6] =	wrdreg s12  }
0x13: {  	p1 =	sne.s32 s23, $0x1;
	s25 =	simm.s32 $0x14380;
	[dreg:$0x7] =	wrdreg s20  }
0x14: {  	s0 =	sadd.s32 s0, s13;
	s22 =	sadd.s32 s9, s6;
	[dreg:$0xb] =	wrdreg s24  }
0x15: {  	s26 =	sadd.s32 s7, s13;
	s30 =	sadd.s32 s10, s6;
	s9 =	sadd.s32 s8, s13  }
0x16: {  	s5 =	sadd.s32 s1, s6;
	s8 =	simm.s32 $0x50;
	s6 =	simm.s32 $0x380  }
.Ltmp0:
0x17: {  	s10 =	simm.s32 $0x2B80;
	s12 =	simm.s32 $0x5380;
	(pc) =	sbr.rel @!p1 .LBB2_3-.Ltmp0, $4  }
0x18: {  	s13 =	simm.s32 $0xF0;
	s20 =	simm.s32 $0x1E0;
	[dreg:$0x9] =	wrdreg s0  }
0x19: {  	s1 =	sadd.s32 $0xFFFFFFFF, s23;
	s23 =	simm.s32 $0x11B80;
	[dreg:$0xa] =	wrdreg s22  }
0x1a: {  	s24 =	simm.s32 $0x280;
	s7 =	simm.s32 $0x1;
	[dreg:$0xd] =	wrdreg s26  }
0x1b: {  	s22 =	simm.s32 $0x230;
	s26 =	simm.s32 $0x2D0;
	s0 =	rddreg [dreg:$0x7]  }
0x1c: {  	[tilespmem:s2], [sflag:$0x2] =	stream.linear.gather [hbm4b:s0+s2], $0x320, $0x38;
	[tilespmem:$0x19380] =	vst v63  }
0x1d: {  	_ =	swait.ge [sflag:s4], $0x320  }
0x1e: {  	[sflag:s4] =	ssyncset.done $0x0  }
0x1f: {  	[sflag:s4] =	ssyncadd.s32 $0xFFFFFCE0  }
0x20: {  	[tilespmem:s6], [sflag:$0x1] =	stream.indirect.gather [hbm4b:s31+s8], $0x80, s2, s8, $0xb8;
	[tilespmem:$0x19380] =	vst v63  }
0x21: {  	_ = 	snop  }
0x22: {  	[tilespmem:s10], [sflag:$0x1] =	stream.indirect.gather [hbm4b:s31+s8], $0x80, s8, s8, $0xb8;
	[tilespmem:$0x19380] =	vst v63  }
0x23: {  	_ = 	snop  }
0x24: {  	[tilespmem:s12], [sflag:$0x1] =	stream.indirect.gather [hbm4b:s31+s8], $0x80, s11, s8, $0xb8;
	[tilespmem:$0x19380] =	vst v63  }
0x25: {  	_ = 	snop  }
0x26: {  	[tilespmem:s14], [sflag:$0x1] =	stream.indirect.gather [hbm4b:s31+s8], $0x80, s13, s8, $0xb8;
	[tilespmem:$0x19380] =	vst v63  }
0x27: {  	_ = 	snop  }
0x28: {  	[tilespmem:s17], [sflag:$0x1] =	stream.indirect.gather [hbm4b:s31+s8], $0x80, s15, s8, $0xb8;
	[tilespmem:$0x19380] =	vst v63  }
0x29: {  	_ = 	snop  }
0x2a: {  	[tilespmem:s19], [sflag:$0x1] =	stream.indirect.gather [hbm4b:s31+s8], $0x80, s18, s8, $0xb8;
	[tilespmem:$0x19380] =	vst v63  }
0x2b: {  	_ = 	snop  }
0x2c: {  	[tilespmem:s21], [sflag:$0x1] =	stream.indirect.gather [hbm4b:s31+s8], $0x80, s20, s8, $0xb8;
	[tilespmem:$0x19380] =	vst v63  }
0x2d: {  	_ = 	snop  }
0x2e: {  	[tilespmem:s23], [sflag:$0x1] =	stream.indirect.gather [hbm4b:s31+s8], $0x80, s22, s8, $0xb8;
	[tilespmem:$0x19380] =	vst v63  }
0x2f: {  	_ = 	snop  }
0x30: {  	[tilespmem:s25], [sflag:$0x1] =	stream.indirect.gather [hbm4b:s31+s8], $0x80, s24, s8, $0xb8;
	[tilespmem:$0x19380] =	vst v63  }
0x31: {  	_ = 	snop  }
0x32: {  	[tilespmem:s28], [sflag:$0x1] =	stream.indirect.gather [hbm4b:s31+s8], $0x80, s26, s8, $0xb8;
	[tilespmem:$0x19380] =	vst v63  }
0x33: {  	_ =	swait.ge [sflag:s7], $0x2800  }
0x34: {  	[sflag:s7] =	ssyncset.done $0x0  }
0x35: {  	[sflag:s7] =	ssyncadd.s32 $0xFFFFD800  }
0x36: {  	_ =	swait.ge [sflag:s7], $0x2800  }
0x37: {  	[sflag:s7] =	ssyncset.done $0x0  }
0x38: {  	[sflag:s7] =	ssyncadd.s32 $0xFFFFD800  }
0x39: {  	_ =	swait.ge [sflag:s7], $0x2800  }
0x3a: {  	[sflag:s7] =	ssyncset.done $0x0  }
0x3b: {  	[sflag:s7] =	ssyncadd.s32 $0xFFFFD800  }
0x3c: {  	_ =	swait.ge [sflag:s7], $0x2800  }
0x3d: {  	[sflag:s7] =	ssyncset.done $0x0  }
0x3e: {  	[sflag:s7] =	ssyncadd.s32 $0xFFFFD800  }
0x3f: {  	_ =	swait.ge [sflag:s7], $0x2800  }
0x40: {  	[sflag:s7] =	ssyncset.done $0x0  }
0x41: {  	[sflag:s7] =	ssyncadd.s32 $0xFFFFD800  }
0x42: {  	_ =	swait.ge [sflag:s7], $0x2800  }
0x43: {  	[sflag:s7] =	ssyncset.done $0x0  }
0x44: {  	[sflag:s7] =	ssyncadd.s32 $0xFFFFD800  }
0x45: {  	_ =	swait.ge [sflag:s7], $0x2800  }
0x46: {  	[sflag:s7] =	ssyncset.done $0x0  }
0x47: {  	[sflag:s7] =	ssyncadd.s32 $0xFFFFD800  }
0x48: {  	_ =	swait.ge [sflag:s7], $0x2800  }
0x49: {  	[sflag:s7] =	ssyncset.done $0x0  }
0x4a: {  	[sflag:s7] =	ssyncadd.s32 $0xFFFFD800  }
0x4b: {  	_ =	swait.ge [sflag:s7], $0x2800  }
0x4c: {  	[sflag:s7] =	ssyncset.done $0x0  }
0x4d: {  	[sflag:s7] =	ssyncadd.s32 $0xFFFFD800  }
0x4e: {  	_ =	swait.ge [sflag:s7], $0x2800  }
0x4f: {  	[sflag:s7] =	ssyncset.done $0x0  }
0x50: {  	s0 =	rddreg [dreg:$0x8];
	[sflag:s7] =	ssyncadd.s32 $0xFFFFD800  }
0x51: {  	[hbm4b:s0+s2] =	stream.linear.scatter [tilespmem:s6], [sflag:$0x2], $0x19000, $0x38;
	[tilespmem:$0x19380] =	vst v63  }
0x52: {  	_ =	swait.ge [sflag:s4], $0x19000  }
0x53: {  	[sflag:s4] =	ssyncset.done $0x0  }
0x54: {  	s0 =	rddreg [dreg:$0x9];
	[sflag:s4] =	ssyncadd.s32 $0xFFFE7000  }
0x55: {  	[tilespmem:s2], [sflag:$0x2] =	stream.linear.gather [hbm4b:s0+s2], $0x320, $0x38;
	[tilespmem:$0x19380] =	vst v63  }
0x56: {  	_ =	swait.ge [sflag:s4], $0x320  }
0x57: {  	[sflag:s4] =	ssyncset.done $0x0  }
0x58: {  	[sflag:s4] =	ssyncadd.s32 $0xFFFFFCE0  }
0x59: {  	[tilespmem:s6], [sflag:$0x1] =	stream.indirect.gather [hbm4b:s31+s8], $0x80, s2, s8, $0xb8;
	[tilespmem:$0x19380] =	vst v63  }
0x5a: {  	_ = 	snop  }
0x5b: {  	[tilespmem:s10], [sflag:$0x1] =	stream.indirect.gather [hbm4b:s31+s8], $0x80, s8, s8, $0xb8;
	[tilespmem:$0x19380] =	vst v63  }
0x5c: {  	_ = 	snop  }
0x5d: {  	[tilespmem:s12], [sflag:$0x1] =	stream.indirect.gather [hbm4b:s31+s8], $0x80, s11, s8, $0xb8;
	[tilespmem:$0x19380] =	vst v63  }
0x5e: {  	_ = 	snop  }
0x5f: {  	[tilespmem:s14], [sflag:$0x1] =	stream.indirect.gather [hbm4b:s31+s8], $0x80, s13, s8, $0xb8;
	[tilespmem:$0x19380] =	vst v63  }
0x60: {  	_ = 	snop  }
0x61: {  	[tilespmem:s17], [sflag:$0x1] =	stream.indirect.gather [hbm4b:s31+s8], $0x80, s15, s8, $0xb8;
	[tilespmem:$0x19380] =	vst v63  }
0x62: {  	_ = 	snop  }
0x63: {  	[tilespmem:s19], [sflag:$0x1] =	stream.indirect.gather [hbm4b:s31+s8], $0x80, s18, s8, $0xb8;
	[tilespmem:$0x19380] =	vst v63  }
0x64: {  	_ = 	snop  }
0x65: {  	[tilespmem:s21], [sflag:$0x1] =	stream.indirect.gather [hbm4b:s31+s8], $0x80, s20, s8, $0xb8;
	[tilespmem:$0x19380] =	vst v63  }
0x66: {  	_ = 	snop  }
0x67: {  	[tilespmem:s23], [sflag:$0x1] =	stream.indirect.gather [hbm4b:s31+s8], $0x80, s22, s8, $0xb8;
	[tilespmem:$0x19380] =	vst v63  }
0x68: {  	_ = 	snop  }
0x69: {  	[tilespmem:s25], [sflag:$0x1] =	stream.indirect.gather [hbm4b:s31+s8], $0x80, s24, s8, $0xb8;
	[tilespmem:$0x19380] =	vst v63  }
0x6a: {  	_ = 	snop  }
0x6b: {  	[tilespmem:s28], [sflag:$0x1] =	stream.indirect.gather [hbm4b:s31+s8], $0x80, s26, s8, $0xb8;
	[tilespmem:$0x19380] =	vst v63  }
0x6c: {  	_ =	swait.ge [sflag:s7], $0x2800  }
0x6d: {  	[sflag:s7] =	ssyncset.done $0x0  }
0x6e: {  	[sflag:s7] =	ssyncadd.s32 $0xFFFFD800  }
0x6f: {  	_ =	swait.ge [sflag:s7], $0x2800  }
0x70: {  	[sflag:s7] =	ssyncset.done $0x0  }
0x71: {  	[sflag:s7] =	ssyncadd.s32 $0xFFFFD800  }
0x72: {  	_ =	swait.ge [sflag:s7], $0x2800  }
0x73: {  	[sflag:s7] =	ssyncset.done $0x0  }
0x74: {  	[sflag:s7] =	ssyncadd.s32 $0xFFFFD800  }
0x75: {  	_ =	swait.ge [sflag:s7], $0x2800  }
0x76: {  	[sflag:s7] =	ssyncset.done $0x0  }
0x77: {  	[sflag:s7] =	ssyncadd.s32 $0xFFFFD800  }
0x78: {  	_ =	swait.ge [sflag:s7], $0x2800  }
0x79: {  	[sflag:s7] =	ssyncset.done $0x0  }
0x7a: {  	[sflag:s7] =	ssyncadd.s32 $0xFFFFD800  }
0x7b: {  	_ =	swait.ge [sflag:s7], $0x2800  }
0x7c: {  	[sflag:s7] =	ssyncset.done $0x0  }
0x7d: {  	[sflag:s7] =	ssyncadd.s32 $0xFFFFD800  }
0x7e: {  	_ =	swait.ge [sflag:s7], $0x2800  }
0x7f: {  	[sflag:s7] =	ssyncset.done $0x0  }
0x80: {  	[sflag:s7] =	ssyncadd.s32 $0xFFFFD800  }
0x81: {  	_ =	swait.ge [sflag:s7], $0x2800  }
0x82: {  	[sflag:s7] =	ssyncset.done $0x0  }
0x83: {  	[sflag:s7] =	ssyncadd.s32 $0xFFFFD800  }
0x84: {  	_ =	swait.ge [sflag:s7], $0x2800  }
0x85: {  	[sflag:s7] =	ssyncset.done $0x0  }
0x86: {  	[sflag:s7] =	ssyncadd.s32 $0xFFFFD800  }
0x87: {  	_ =	swait.ge [sflag:s7], $0x2800  }
0x88: {  	[sflag:s7] =	ssyncset.done $0x0  }
0x89: {  	s0 =	rddreg [dreg:$0xa];
	[sflag:s7] =	ssyncadd.s32 $0xFFFFD800  }
0x8a: {  	[hbm4b:s0+s2] =	stream.linear.scatter [tilespmem:s6], [sflag:$0x2], $0x19000, $0x38;
	[tilespmem:$0x19380] =	vst v63  }
0x8b: {  	_ =	swait.ge [sflag:s4], $0x19000  }
0x8c: {  	[sflag:s4] =	ssyncset.done $0x0  }
0x8d: {  	s0 =	rddreg [dreg:$0xb];
	[sflag:s4] =	ssyncadd.s32 $0xFFFE7000  }
0x8e: {  	[tilespmem:s2], [sflag:$0x2] =	stream.linear.gather [hbm4b:s0+s2], $0x320, $0x38;
	[tilespmem:$0x19380] =	vst v63  }
0x8f: {  	_ =	swait.ge [sflag:s4], $0x320  }
0x90: {  	[sflag:s4] =	ssyncset.done $0x0  }
0x91: {  	[sflag:s4] =	ssyncadd.s32 $0xFFFFFCE0  }
0x92: {  	[tilespmem:s6], [sflag:$0x1] =	stream.indirect.gather [hbm4b:s29+s8], $0x80, s2, s8, $0xb8;
	[tilespmem:$0x19380] =	vst v63  }
0x93: {  	_ = 	snop  }
0x94: {  	[tilespmem:s10], [sflag:$0x1] =	stream.indirect.gather [hbm4b:s29+s8], $0x80, s8, s8, $0xb8;
	[tilespmem:$0x19380] =	vst v63  }
0x95: {  	_ = 	snop  }
0x96: {  	[tilespmem:s12], [sflag:$0x1] =	stream.indirect.gather [hbm4b:s29+s8], $0x80, s11, s8, $0xb8;
	[tilespmem:$0x19380] =	vst v63  }
0x97: {  	_ = 	snop  }
0x98: {  	[tilespmem:s14], [sflag:$0x1] =	stream.indirect.gather [hbm4b:s29+s8], $0x80, s13, s8, $0xb8;
	[tilespmem:$0x19380] =	vst v63  }
0x99: {  	_ = 	snop  }
0x9a: {  	[tilespmem:s17], [sflag:$0x1] =	stream.indirect.gather [hbm4b:s29+s8], $0x80, s15, s8, $0xb8;
	[tilespmem:$0x19380] =	vst v63  }
0x9b: {  	_ = 	snop  }
0x9c: {  	[tilespmem:s19], [sflag:$0x1] =	stream.indirect.gather [hbm4b:s29+s8], $0x80, s18, s8, $0xb8;
	[tilespmem:$0x19380] =	vst v63  }
0x9d: {  	_ = 	snop  }
0x9e: {  	[tilespmem:s21], [sflag:$0x1] =	stream.indirect.gather [hbm4b:s29+s8], $0x80, s20, s8, $0xb8;
	[tilespmem:$0x19380] =	vst v63  }
0x9f: {  	_ = 	snop  }
0xa0: {  	[tilespmem:s23], [sflag:$0x1] =	stream.indirect.gather [hbm4b:s29+s8], $0x80, s22, s8, $0xb8;
	[tilespmem:$0x19380] =	vst v63  }
0xa1: {  	_ = 	snop  }
0xa2: {  	[tilespmem:s25], [sflag:$0x1] =	stream.indirect.gather [hbm4b:s29+s8], $0x80, s24, s8, $0xb8;
	[tilespmem:$0x19380] =	vst v63  }
0xa3: {  	_ = 	snop  }
0xa4: {  	[tilespmem:s28], [sflag:$0x1] =	stream.indirect.gather [hbm4b:s29+s8], $0x80, s26, s8, $0xb8;
	[tilespmem:$0x19380] =	vst v63  }
0xa5: {  	_ =	swait.ge [sflag:s7], $0x2800  }
0xa6: {  	[sflag:s7] =	ssyncset.done $0x0  }
0xa7: {  	[sflag:s7] =	ssyncadd.s32 $0xFFFFD800  }
0xa8: {  	_ =	swait.ge [sflag:s7], $0x2800  }
0xa9: {  	[sflag:s7] =	ssyncset.done $0x0  }
0xaa: {  	[sflag:s7] =	ssyncadd.s32 $0xFFFFD800  }
0xab: {  	_ =	swait.ge [sflag:s7], $0x2800  }
0xac: {  	[sflag:s7] =	ssyncset.done $0x0  }
0xad: {  	[sflag:s7] =	ssyncadd.s32 $0xFFFFD800  }
0xae: {  	_ =	swait.ge [sflag:s7], $0x2800  }
0xaf: {  	[sflag:s7] =	ssyncset.done $0x0  }
0xb0: {  	[sflag:s7] =	ssyncadd.s32 $0xFFFFD800  }
0xb1: {  	_ =	swait.ge [sflag:s7], $0x2800  }
0xb2: {  	[sflag:s7] =	ssyncset.done $0x0  }
0xb3: {  	[sflag:s7] =	ssyncadd.s32 $0xFFFFD800  }
0xb4: {  	_ =	swait.ge [sflag:s7], $0x2800  }
0xb5: {  	[sflag:s7] =	ssyncset.done $0x0  }
0xb6: {  	[sflag:s7] =	ssyncadd.s32 $0xFFFFD800  }
0xb7: {  	_ =	swait.ge [sflag:s7], $0x2800  }
0xb8: {  	[sflag:s7] =	ssyncset.done $0x0  }
0xb9: {  	[sflag:s7] =	ssyncadd.s32 $0xFFFFD800  }
0xba: {  	_ =	swait.ge [sflag:s7], $0x2800  }
0xbb: {  	[sflag:s7] =	ssyncset.done $0x0  }
0xbc: {  	[sflag:s7] =	ssyncadd.s32 $0xFFFFD800  }
0xbd: {  	_ =	swait.ge [sflag:s7], $0x2800  }
0xbe: {  	[sflag:s7] =	ssyncset.done $0x0  }
0xbf: {  	[sflag:s7] =	ssyncadd.s32 $0xFFFFD800  }
0xc0: {  	_ =	swait.ge [sflag:s7], $0x2800  }
0xc1: {  	[sflag:s7] =	ssyncset.done $0x0  }
0xc2: {  	s0 =	rddreg [dreg:$0xc];
	[sflag:s7] =	ssyncadd.s32 $0xFFFFD800  }
0xc3: {  	[hbm4b:s0+s2] =	stream.linear.scatter [tilespmem:s6], [sflag:$0x2], $0x19000, $0x38;
	[tilespmem:$0x19380] =	vst v63  }
0xc4: {  	_ =	swait.ge [sflag:s4], $0x19000  }
0xc5: {  	[sflag:s4] =	ssyncset.done $0x0  }
0xc6: {  	s0 =	rddreg [dreg:$0xd];
	[sflag:s4] =	ssyncadd.s32 $0xFFFE7000  }
0xc7: {  	[tilespmem:s2], [sflag:$0x2] =	stream.linear.gather [hbm4b:s0+s2], $0x320, $0x38;
	[tilespmem:$0x19380] =	vst v63  }
0xc8: {  	_ =	swait.ge [sflag:s4], $0x320  }
0xc9: {  	[sflag:s4] =	ssyncset.done $0x0  }
0xca: {  	[sflag:s4] =	ssyncadd.s32 $0xFFFFFCE0  }
0xcb: {  	[tilespmem:s6], [sflag:$0x1] =	stream.indirect.gather [hbm4b:s29+s8], $0x80, s2, s8, $0xb8;
	[tilespmem:$0x19380] =	vst v63  }
0xcc: {  	_ = 	snop  }
0xcd: {  	[tilespmem:s10], [sflag:$0x1] =	stream.indirect.gather [hbm4b:s29+s8], $0x80, s8, s8, $0xb8;
	[tilespmem:$0x19380] =	vst v63  }
0xce: {  	_ = 	snop  }
0xcf: {  	[tilespmem:s12], [sflag:$0x1] =	stream.indirect.gather [hbm4b:s29+s8], $0x80, s11, s8, $0xb8;
	[tilespmem:$0x19380] =	vst v63  }
0xd0: {  	_ = 	snop  }
0xd1: {  	[tilespmem:s14], [sflag:$0x1] =	stream.indirect.gather [hbm4b:s29+s8], $0x80, s13, s8, $0xb8;
	[tilespmem:$0x19380] =	vst v63  }
0xd2: {  	_ = 	snop  }
0xd3: {  	[tilespmem:s17], [sflag:$0x1] =	stream.indirect.gather [hbm4b:s29+s8], $0x80, s15, s8, $0xb8;
	[tilespmem:$0x19380] =	vst v63  }
0xd4: {  	_ = 	snop  }
0xd5: {  	[tilespmem:s19], [sflag:$0x1] =	stream.indirect.gather [hbm4b:s29+s8], $0x80, s18, s8, $0xb8;
	[tilespmem:$0x19380] =	vst v63  }
0xd6: {  	_ = 	snop  }
0xd7: {  	[tilespmem:s21], [sflag:$0x1] =	stream.indirect.gather [hbm4b:s29+s8], $0x80, s20, s8, $0xb8;
	[tilespmem:$0x19380] =	vst v63  }
0xd8: {  	_ = 	snop  }
0xd9: {  	[tilespmem:s23], [sflag:$0x1] =	stream.indirect.gather [hbm4b:s29+s8], $0x80, s22, s8, $0xb8;
	[tilespmem:$0x19380] =	vst v63  }
0xda: {  	_ = 	snop  }
0xdb: {  	[tilespmem:s25], [sflag:$0x1] =	stream.indirect.gather [hbm4b:s29+s8], $0x80, s24, s8, $0xb8;
	[tilespmem:$0x19380] =	vst v63  }
0xdc: {  	_ = 	snop  }
0xdd: {  	[tilespmem:s28], [sflag:$0x1] =	stream.indirect.gather [hbm4b:s29+s8], $0x80, s26, s8, $0xb8;
	[tilespmem:$0x19380] =	vst v63  }
0xde: {  	_ =	swait.ge [sflag:s7], $0x2800  }
0xdf: {  	[sflag:s7] =	ssyncset.done $0x0  }
0xe0: {  	[sflag:s7] =	ssyncadd.s32 $0xFFFFD800  }
0xe1: {  	_ =	swait.ge [sflag:s7], $0x2800  }
0xe2: {  	[sflag:s7] =	ssyncset.done $0x0  }
0xe3: {  	[sflag:s7] =	ssyncadd.s32 $0xFFFFD800  }
0xe4: {  	_ =	swait.ge [sflag:s7], $0x2800  }
0xe5: {  	[sflag:s7] =	ssyncset.done $0x0  }
0xe6: {  	[sflag:s7] =	ssyncadd.s32 $0xFFFFD800  }
0xe7: {  	_ =	swait.ge [sflag:s7], $0x2800  }
0xe8: {  	[sflag:s7] =	ssyncset.done $0x0  }
0xe9: {  	[sflag:s7] =	ssyncadd.s32 $0xFFFFD800  }
0xea: {  	_ =	swait.ge [sflag:s7], $0x2800  }
0xeb: {  	[sflag:s7] =	ssyncset.done $0x0  }
0xec: {  	[sflag:s7] =	ssyncadd.s32 $0xFFFFD800  }
0xed: {  	_ =	swait.ge [sflag:s7], $0x2800  }
0xee: {  	[sflag:s7] =	ssyncset.done $0x0  }
0xef: {  	[sflag:s7] =	ssyncadd.s32 $0xFFFFD800  }
0xf0: {  	_ =	swait.ge [sflag:s7], $0x2800  }
0xf1: {  	[sflag:s7] =	ssyncset.done $0x0  }
0xf2: {  	[sflag:s7] =	ssyncadd.s32 $0xFFFFD800  }
0xf3: {  	_ =	swait.ge [sflag:s7], $0x2800  }
0xf4: {  	[sflag:s7] =	ssyncset.done $0x0  }
0xf5: {  	[sflag:s7] =	ssyncadd.s32 $0xFFFFD800  }
0xf6: {  	_ =	swait.ge [sflag:s7], $0x2800  }
0xf7: {  	[sflag:s7] =	ssyncset.done $0x0  }
0xf8: {  	[sflag:s7] =	ssyncadd.s32 $0xFFFFD800  }
0xf9: {  	_ =	swait.ge [sflag:s7], $0x2800  }
0xfa: {  	[sflag:s7] =	ssyncset.done $0x0  }
0xfb: {  	[sflag:s7] =	ssyncadd.s32 $0xFFFFD800  }
0xfc: {  	[hbm4b:s30+s2] =	stream.linear.scatter [tilespmem:s6], [sflag:$0x2], $0x19000, $0x38;
	[tilespmem:$0x19380] =	vst v63  }
0xfd: {  	_ =	swait.ge [sflag:s4], $0x19000  }
0xfe: {  	[sflag:s4] =	ssyncset.done $0x0  }
0xff: {  	s0 =	rddreg [dreg:$0x6];
	[sflag:s4] =	ssyncadd.s32 $0xFFFE7000  }
0x100: {  	[tilespmem:s2], [sflag:$0x2] =	stream.linear.gather [hbm4b:s0+s2], $0x320, $0x38;
	[tilespmem:$0x19380] =	vst v63  }
0x101: {  	_ =	swait.ge [sflag:s4], $0x320  }
0x102: {  	[sflag:s4] =	ssyncset.done $0x0  }
0x103: {  	[sflag:s4] =	ssyncadd.s32 $0xFFFFFCE0  }
0x104: {  	[tilespmem:s6], [sflag:$0x1] =	stream.indirect.gather [hbm4b:s3+s8], $0x80, s2, s8, $0xb8;
	[tilespmem:$0x19380] =	vst v63  }
0x105: {  	_ = 	snop  }
0x106: {  	[tilespmem:s10], [sflag:$0x1] =	stream.indirect.gather [hbm4b:s3+s8], $0x80, s8, s8, $0xb8;
	[tilespmem:$0x19380] =	vst v63  }
0x107: {  	_ = 	snop  }
0x108: {  	[tilespmem:s12], [sflag:$0x1] =	stream.indirect.gather [hbm4b:s3+s8], $0x80, s11, s8, $0xb8;
	[tilespmem:$0x19380] =	vst v63  }
0x109: {  	_ = 	snop  }
0x10a: {  	[tilespmem:s14], [sflag:$0x1] =	stream.indirect.gather [hbm4b:s3+s8], $0x80, s13, s8, $0xb8;
	[tilespmem:$0x19380] =	vst v63  }
0x10b: {  	_ = 	snop  }
0x10c: {  	[tilespmem:s17], [sflag:$0x1] =	stream.indirect.gather [hbm4b:s3+s8], $0x80, s15, s8, $0xb8;
	[tilespmem:$0x19380] =	vst v63  }
0x10d: {  	_ = 	snop  }
0x10e: {  	[tilespmem:s19], [sflag:$0x1] =	stream.indirect.gather [hbm4b:s3+s8], $0x80, s18, s8, $0xb8;
	[tilespmem:$0x19380] =	vst v63  }
0x10f: {  	_ = 	snop  }
0x110: {  	[tilespmem:s21], [sflag:$0x1] =	stream.indirect.gather [hbm4b:s3+s8], $0x80, s20, s8, $0xb8;
	[tilespmem:$0x19380] =	vst v63  }
0x111: {  	_ = 	snop  }
0x112: {  	[tilespmem:s23], [sflag:$0x1] =	stream.indirect.gather [hbm4b:s3+s8], $0x80, s22, s8, $0xb8;
	[tilespmem:$0x19380] =	vst v63  }
0x113: {  	_ = 	snop  }
0x114: {  	[tilespmem:s25], [sflag:$0x1] =	stream.indirect.gather [hbm4b:s3+s8], $0x80, s24, s8, $0xb8;
	[tilespmem:$0x19380] =	vst v63  }
0x115: {  	_ = 	snop  }
0x116: {  	[tilespmem:s28], [sflag:$0x1] =	stream.indirect.gather [hbm4b:s3+s8], $0x80, s26, s8, $0xb8;
	[tilespmem:$0x19380] =	vst v63  }
0x117: {  	_ =	swait.ge [sflag:s7], $0x2800  }
0x118: {  	[sflag:s7] =	ssyncset.done $0x0  }
0x119: {  	[sflag:s7] =	ssyncadd.s32 $0xFFFFD800  }
0x11a: {  	_ =	swait.ge [sflag:s7], $0x2800  }
0x11b: {  	[sflag:s7] =	ssyncset.done $0x0  }
0x11c: {  	[sflag:s7] =	ssyncadd.s32 $0xFFFFD800  }
0x11d: {  	_ =	swait.ge [sflag:s7], $0x2800  }
0x11e: {  	[sflag:s7] =	ssyncset.done $0x0  }
0x11f: {  	[sflag:s7] =	ssyncadd.s32 $0xFFFFD800  }
0x120: {  	_ =	swait.ge [sflag:s7], $0x2800  }
0x121: {  	[sflag:s7] =	ssyncset.done $0x0  }
0x122: {  	[sflag:s7] =	ssyncadd.s32 $0xFFFFD800  }
0x123: {  	_ =	swait.ge [sflag:s7], $0x2800  }
0x124: {  	[sflag:s7] =	ssyncset.done $0x0  }
0x125: {  	[sflag:s7] =	ssyncadd.s32 $0xFFFFD800  }
0x126: {  	_ =	swait.ge [sflag:s7], $0x2800  }
0x127: {  	[sflag:s7] =	ssyncset.done $0x0  }
0x128: {  	[sflag:s7] =	ssyncadd.s32 $0xFFFFD800  }
0x129: {  	_ =	swait.ge [sflag:s7], $0x2800  }
0x12a: {  	[sflag:s7] =	ssyncset.done $0x0  }
0x12b: {  	[sflag:s7] =	ssyncadd.s32 $0xFFFFD800  }
0x12c: {  	_ =	swait.ge [sflag:s7], $0x2800  }
0x12d: {  	[sflag:s7] =	ssyncset.done $0x0  }
0x12e: {  	[sflag:s7] =	ssyncadd.s32 $0xFFFFD800  }
0x12f: {  	_ =	swait.ge [sflag:s7], $0x2800  }
0x130: {  	[sflag:s7] =	ssyncset.done $0x0  }
0x131: {  	[sflag:s7] =	ssyncadd.s32 $0xFFFFD800  }
0x132: {  	_ =	swait.ge [sflag:s7], $0x2800  }
0x133: {  	[sflag:s7] =	ssyncset.done $0x0  }
0x134: {  	[sflag:s7] =	ssyncadd.s32 $0xFFFFD800  }
0x135: {  	[hbm4b:s16+s2] =	stream.linear.scatter [tilespmem:s6], [sflag:$0x2], $0x19000, $0x38;
	[tilespmem:$0x19380] =	vst v63  }
0x136: {  	_ =	swait.ge [sflag:s4], $0x19000  }
0x137: {  	[sflag:s4] =	ssyncset.done $0x0  }
0x138: {  	[sflag:s4] =	ssyncadd.s32 $0xFFFE7000  }
0x139: {  	[tilespmem:s2], [sflag:$0x2] =	stream.linear.gather [hbm4b:s9+s2], $0x320, $0x38;
	[tilespmem:$0x19380] =	vst v63  }
0x13a: {  	_ =	swait.ge [sflag:s4], $0x320  }
0x13b: {  	[sflag:s4] =	ssyncset.done $0x0  }
0x13c: {  	[sflag:s4] =	ssyncadd.s32 $0xFFFFFCE0  }
0x13d: {  	[tilespmem:s6], [sflag:$0x1] =	stream.indirect.gather [hbm4b:s3+s8], $0x80, s2, s8, $0xb8;
	[tilespmem:$0x19380] =	vst v63  }
0x13e: {  	_ = 	snop  }
0x13f: {  	[tilespmem:s10], [sflag:$0x1] =	stream.indirect.gather [hbm4b:s3+s8], $0x80, s8, s8, $0xb8;
	[tilespmem:$0x19380] =	vst v63  }
0x140: {  	_ = 	snop  }
0x141: {  	[tilespmem:s12], [sflag:$0x1] =	stream.indirect.gather [hbm4b:s3+s8], $0x80, s11, s8, $0xb8;
	[tilespmem:$0x19380] =	vst v63  }
0x142: {  	_ = 	snop  }
0x143: {  	[tilespmem:s14], [sflag:$0x1] =	stream.indirect.gather [hbm4b:s3+s8], $0x80, s13, s8, $0xb8;
	[tilespmem:$0x19380] =	vst v63  }
0x144: {  	_ = 	snop  }
0x145: {  	[tilespmem:s17], [sflag:$0x1] =	stream.indirect.gather [hbm4b:s3+s8], $0x80, s15, s8, $0xb8;
	[tilespmem:$0x19380] =	vst v63  }
0x146: {  	_ = 	snop  }
0x147: {  	[tilespmem:s19], [sflag:$0x1] =	stream.indirect.gather [hbm4b:s3+s8], $0x80, s18, s8, $0xb8;
	[tilespmem:$0x19380] =	vst v63  }
0x148: {  	_ = 	snop  }
0x149: {  	[tilespmem:s21], [sflag:$0x1] =	stream.indirect.gather [hbm4b:s3+s8], $0x80, s20, s8, $0xb8;
	[tilespmem:$0x19380] =	vst v63  }
0x14a: {  	_ = 	snop  }
0x14b: {  	[tilespmem:s23], [sflag:$0x1] =	stream.indirect.gather [hbm4b:s3+s8], $0x80, s22, s8, $0xb8;
	[tilespmem:$0x19380] =	vst v63  }
0x14c: {  	_ = 	snop  }
0x14d: {  	[tilespmem:s25], [sflag:$0x1] =	stream.indirect.gather [hbm4b:s3+s8], $0x80, s24, s8, $0xb8;
	[tilespmem:$0x19380] =	vst v63  }
0x14e: {  	_ = 	snop  }
0x14f: {  	[tilespmem:s28], [sflag:$0x1] =	stream.indirect.gather [hbm4b:s3+s8], $0x80, s26, s8, $0xb8;
	[tilespmem:$0x19380] =	vst v63  }
0x150: {  	_ =	swait.ge [sflag:s7], $0x2800  }
0x151: {  	[sflag:s7] =	ssyncset.done $0x0  }
0x152: {  	[sflag:s7] =	ssyncadd.s32 $0xFFFFD800  }
0x153: {  	_ =	swait.ge [sflag:s7], $0x2800  }
0x154: {  	[sflag:s7] =	ssyncset.done $0x0  }
0x155: {  	[sflag:s7] =	ssyncadd.s32 $0xFFFFD800  }
0x156: {  	_ =	swait.ge [sflag:s7], $0x2800  }
0x157: {  	[sflag:s7] =	ssyncset.done $0x0  }
0x158: {  	[sflag:s7] =	ssyncadd.s32 $0xFFFFD800  }
0x159: {  	_ =	swait.ge [sflag:s7], $0x2800  }
0x15a: {  	[sflag:s7] =	ssyncset.done $0x0  }
0x15b: {  	[sflag:s7] =	ssyncadd.s32 $0xFFFFD800  }
0x15c: {  	_ =	swait.ge [sflag:s7], $0x2800  }
0x15d: {  	[sflag:s7] =	ssyncset.done $0x0  }
0x15e: {  	[sflag:s7] =	ssyncadd.s32 $0xFFFFD800  }
0x15f: {  	_ =	swait.ge [sflag:s7], $0x2800  }
0x160: {  	[sflag:s7] =	ssyncset.done $0x0  }
0x161: {  	[sflag:s7] =	ssyncadd.s32 $0xFFFFD800  }
0x162: {  	_ =	swait.ge [sflag:s7], $0x2800  }
0x163: {  	[sflag:s7] =	ssyncset.done $0x0  }
0x164: {  	[sflag:s7] =	ssyncadd.s32 $0xFFFFD800  }
0x165: {  	_ =	swait.ge [sflag:s7], $0x2800  }
0x166: {  	[sflag:s7] =	ssyncset.done $0x0  }
0x167: {  	[sflag:s7] =	ssyncadd.s32 $0xFFFFD800  }
0x168: {  	_ =	swait.ge [sflag:s7], $0x2800  }
0x169: {  	[sflag:s7] =	ssyncset.done $0x0  }
0x16a: {  	[sflag:s7] =	ssyncadd.s32 $0xFFFFD800  }
0x16b: {  	p1 =	sne.s32 s1, $0x1;
	_ =	swait.ge [sflag:s7], $0x2800  }
.Ltmp1:
0x16c: {  	[sflag:s7] =	ssyncset.done $0x0;
	(pc) =	sbr.rel @!p1 .LBB2_3-.Ltmp1, $4  }
0x16d: {  	[sflag:s7] =	ssyncadd.s32 $0xFFFFD800  }
0x16e: {  	[hbm4b:s5+s2] =	stream.linear.scatter [tilespmem:s6], [sflag:$0x2], $0x19000, $0x38;
	[tilespmem:$0x19380] =	vst v63  }
0x16f: {  	s1 =	sadd.s32 $0xFFFFFFFF, s1;
	_ =	swait.ge [sflag:s4], $0x19000  }
0x170: {  	p0 =	por $0x1, $0x1;
	s0 =	rddreg [dreg:$0x7];
	[sflag:s4] =	ssyncset.done $0x0  }
.LBB2_2:
0x171: {  	[sflag:s4] =	ssyncadd.s32 $0xFFFE7000  }
0x172: {  	[tilespmem:s2], [sflag:$0x2] =	stream.linear.gather [hbm4b:s0+s2], $0x320, $0x38;
	[tilespmem:$0x19380] =	vst v63  }
0x173: {  	_ =	swait.ge [sflag:s4], $0x320  }
0x174: {  	[sflag:s4] =	ssyncset.done $0x0  }
0x175: {  	[sflag:s4] =	ssyncadd.s32 $0xFFFFFCE0  }
0x176: {  	[tilespmem:s6], [sflag:$0x1] =	stream.indirect.gather [hbm4b:s31+s8], $0x80, s2, s8, $0xb8;
	[tilespmem:$0x19380] =	vst v63  }
0x177: {  	_ = 	snop  }
0x178: {  	[tilespmem:s10], [sflag:$0x1] =	stream.indirect.gather [hbm4b:s31+s8], $0x80, s8, s8, $0xb8;
	[tilespmem:$0x19380] =	vst v63  }
0x179: {  	_ = 	snop  }
0x17a: {  	[tilespmem:s12], [sflag:$0x1] =	stream.indirect.gather [hbm4b:s31+s8], $0x80, s11, s8, $0xb8;
	[tilespmem:$0x19380] =	vst v63  }
0x17b: {  	_ = 	snop  }
0x17c: {  	[tilespmem:s14], [sflag:$0x1] =	stream.indirect.gather [hbm4b:s31+s8], $0x80, s13, s8, $0xb8;
	[tilespmem:$0x19380] =	vst v63  }
0x17d: {  	_ = 	snop  }
0x17e: {  	[tilespmem:s17], [sflag:$0x1] =	stream.indirect.gather [hbm4b:s31+s8], $0x80, s15, s8, $0xb8;
	[tilespmem:$0x19380] =	vst v63  }
0x17f: {  	_ = 	snop  }
0x180: {  	[tilespmem:s19], [sflag:$0x1] =	stream.indirect.gather [hbm4b:s31+s8], $0x80, s18, s8, $0xb8;
	[tilespmem:$0x19380] =	vst v63  }
0x181: {  	_ = 	snop  }
0x182: {  	[tilespmem:s21], [sflag:$0x1] =	stream.indirect.gather [hbm4b:s31+s8], $0x80, s20, s8, $0xb8;
	[tilespmem:$0x19380] =	vst v63  }
0x183: {  	_ = 	snop  }
0x184: {  	[tilespmem:s23], [sflag:$0x1] =	stream.indirect.gather [hbm4b:s31+s8], $0x80, s22, s8, $0xb8;
	[tilespmem:$0x19380] =	vst v63  }
0x185: {  	_ = 	snop  }
0x186: {  	[tilespmem:s25], [sflag:$0x1] =	stream.indirect.gather [hbm4b:s31+s8], $0x80, s24, s8, $0xb8;
	[tilespmem:$0x19380] =	vst v63  }
0x187: {  	_ = 	snop  }
0x188: {  	[tilespmem:s28], [sflag:$0x1] =	stream.indirect.gather [hbm4b:s31+s8], $0x80, s26, s8, $0xb8;
	[tilespmem:$0x19380] =	vst v63  }
0x189: {  	_ =	swait.ge [sflag:s7], $0x2800  }
0x18a: {  	[sflag:s7] =	ssyncset.done $0x0  }
0x18b: {  	[sflag:s7] =	ssyncadd.s32 $0xFFFFD800  }
0x18c: {  	_ =	swait.ge [sflag:s7], $0x2800  }
0x18d: {  	[sflag:s7] =	ssyncset.done $0x0  }
0x18e: {  	[sflag:s7] =	ssyncadd.s32 $0xFFFFD800  }
0x18f: {  	_ =	swait.ge [sflag:s7], $0x2800  }
0x190: {  	[sflag:s7] =	ssyncset.done $0x0  }
0x191: {  	[sflag:s7] =	ssyncadd.s32 $0xFFFFD800  }
0x192: {  	_ =	swait.ge [sflag:s7], $0x2800  }
0x193: {  	[sflag:s7] =	ssyncset.done $0x0  }
0x194: {  	[sflag:s7] =	ssyncadd.s32 $0xFFFFD800  }
0x195: {  	_ =	swait.ge [sflag:s7], $0x2800  }
0x196: {  	[sflag:s7] =	ssyncset.done $0x0  }
0x197: {  	[sflag:s7] =	ssyncadd.s32 $0xFFFFD800  }
0x198: {  	_ =	swait.ge [sflag:s7], $0x2800  }
0x199: {  	[sflag:s7] =	ssyncset.done $0x0  }
0x19a: {  	[sflag:s7] =	ssyncadd.s32 $0xFFFFD800  }
0x19b: {  	_ =	swait.ge [sflag:s7], $0x2800  }
0x19c: {  	[sflag:s7] =	ssyncset.done $0x0  }
0x19d: {  	[sflag:s7] =	ssyncadd.s32 $0xFFFFD800  }
0x19e: {  	_ =	swait.ge [sflag:s7], $0x2800  }
0x19f: {  	[sflag:s7] =	ssyncset.done $0x0  }
0x1a0: {  	[sflag:s7] =	ssyncadd.s32 $0xFFFFD800  }
0x1a1: {  	_ =	swait.ge [sflag:s7], $0x2800  }
0x1a2: {  	[sflag:s7] =	ssyncset.done $0x0  }
0x1a3: {  	[sflag:s7] =	ssyncadd.s32 $0xFFFFD800  }
0x1a4: {  	_ =	swait.ge [sflag:s7], $0x2800  }
0x1a5: {  	[sflag:s7] =	ssyncset.done $0x0  }
0x1a6: {  	s0 =	rddreg [dreg:$0x8];
	[sflag:s7] =	ssyncadd.s32 $0xFFFFD800  }
0x1a7: {  	[hbm4b:s0+s2] =	stream.linear.scatter [tilespmem:s6], [sflag:$0x2], $0x19000, $0x38;
	[tilespmem:$0x19380] =	vst v63  }
0x1a8: {  	_ =	swait.ge [sflag:s4], $0x19000  }
0x1a9: {  	[sflag:s4] =	ssyncset.done $0x0  }
0x1aa: {  	s0 =	rddreg [dreg:$0x9];
	[sflag:s4] =	ssyncadd.s32 $0xFFFE7000  }
0x1ab: {  	[tilespmem:s2], [sflag:$0x2] =	stream.linear.gather [hbm4b:s0+s2], $0x320, $0x38;
	[tilespmem:$0x19380] =	vst v63  }
0x1ac: {  	_ =	swait.ge [sflag:s4], $0x320  }
0x1ad: {  	[sflag:s4] =	ssyncset.done $0x0  }
0x1ae: {  	[sflag:s4] =	ssyncadd.s32 $0xFFFFFCE0  }
0x1af: {  	[tilespmem:s6], [sflag:$0x1] =	stream.indirect.gather [hbm4b:s31+s8], $0x80, s2, s8, $0xb8;
	[tilespmem:$0x19380] =	vst v63  }
0x1b0: {  	_ = 	snop  }
0x1b1: {  	[tilespmem:s10], [sflag:$0x1] =	stream.indirect.gather [hbm4b:s31+s8], $0x80, s8, s8, $0xb8;
	[tilespmem:$0x19380] =	vst v63  }
0x1b2: {  	_ = 	snop  }
0x1b3: {  	[tilespmem:s12], [sflag:$0x1] =	stream.indirect.gather [hbm4b:s31+s8], $0x80, s11, s8, $0xb8;
	[tilespmem:$0x19380] =	vst v63  }
0x1b4: {  	_ = 	snop  }
0x1b5: {  	[tilespmem:s14], [sflag:$0x1] =	stream.indirect.gather [hbm4b:s31+s8], $0x80, s13, s8, $0xb8;
	[tilespmem:$0x19380] =	vst v63  }
0x1b6: {  	_ = 	snop  }
0x1b7: {  	[tilespmem:s17], [sflag:$0x1] =	stream.indirect.gather [hbm4b:s31+s8], $0x80, s15, s8, $0xb8;
	[tilespmem:$0x19380] =	vst v63  }
0x1b8: {  	_ = 	snop  }
0x1b9: {  	[tilespmem:s19], [sflag:$0x1] =	stream.indirect.gather [hbm4b:s31+s8], $0x80, s18, s8, $0xb8;
	[tilespmem:$0x19380] =	vst v63  }
0x1ba: {  	_ = 	snop  }
0x1bb: {  	[tilespmem:s21], [sflag:$0x1] =	stream.indirect.gather [hbm4b:s31+s8], $0x80, s20, s8, $0xb8;
	[tilespmem:$0x19380] =	vst v63  }
0x1bc: {  	_ = 	snop  }
0x1bd: {  	[tilespmem:s23], [sflag:$0x1] =	stream.indirect.gather [hbm4b:s31+s8], $0x80, s22, s8, $0xb8;
	[tilespmem:$0x19380] =	vst v63  }
0x1be: {  	_ = 	snop  }
0x1bf: {  	[tilespmem:s25], [sflag:$0x1] =	stream.indirect.gather [hbm4b:s31+s8], $0x80, s24, s8, $0xb8;
	[tilespmem:$0x19380] =	vst v63  }
0x1c0: {  	_ = 	snop  }
0x1c1: {  	[tilespmem:s28], [sflag:$0x1] =	stream.indirect.gather [hbm4b:s31+s8], $0x80, s26, s8, $0xb8;
	[tilespmem:$0x19380] =	vst v63  }
0x1c2: {  	_ =	swait.ge [sflag:s7], $0x2800  }
0x1c3: {  	[sflag:s7] =	ssyncset.done $0x0  }
0x1c4: {  	[sflag:s7] =	ssyncadd.s32 $0xFFFFD800  }
0x1c5: {  	_ =	swait.ge [sflag:s7], $0x2800  }
0x1c6: {  	[sflag:s7] =	ssyncset.done $0x0  }
0x1c7: {  	[sflag:s7] =	ssyncadd.s32 $0xFFFFD800  }
0x1c8: {  	_ =	swait.ge [sflag:s7], $0x2800  }
0x1c9: {  	[sflag:s7] =	ssyncset.done $0x0  }
0x1ca: {  	[sflag:s7] =	ssyncadd.s32 $0xFFFFD800  }
0x1cb: {  	_ =	swait.ge [sflag:s7], $0x2800  }
0x1cc: {  	[sflag:s7] =	ssyncset.done $0x0  }
0x1cd: {  	[sflag:s7] =	ssyncadd.s32 $0xFFFFD800  }
0x1ce: {  	_ =	swait.ge [sflag:s7], $0x2800  }
0x1cf: {  	[sflag:s7] =	ssyncset.done $0x0  }
0x1d0: {  	[sflag:s7] =	ssyncadd.s32 $0xFFFFD800  }
0x1d1: {  	_ =	swait.ge [sflag:s7], $0x2800  }
0x1d2: {  	[sflag:s7] =	ssyncset.done $0x0  }
0x1d3: {  	[sflag:s7] =	ssyncadd.s32 $0xFFFFD800  }
0x1d4: {  	_ =	swait.ge [sflag:s7], $0x2800  }
0x1d5: {  	[sflag:s7] =	ssyncset.done $0x0  }
0x1d6: {  	[sflag:s7] =	ssyncadd.s32 $0xFFFFD800  }
0x1d7: {  	_ =	swait.ge [sflag:s7], $0x2800  }
0x1d8: {  	[sflag:s7] =	ssyncset.done $0x0  }
0x1d9: {  	[sflag:s7] =	ssyncadd.s32 $0xFFFFD800  }
0x1da: {  	_ =	swait.ge [sflag:s7], $0x2800  }
0x1db: {  	[sflag:s7] =	ssyncset.done $0x0  }
0x1dc: {  	[sflag:s7] =	ssyncadd.s32 $0xFFFFD800  }
0x1dd: {  	_ =	swait.ge [sflag:s7], $0x2800  }
0x1de: {  	[sflag:s7] =	ssyncset.done $0x0  }
0x1df: {  	s0 =	rddreg [dreg:$0xa];
	[sflag:s7] =	ssyncadd.s32 $0xFFFFD800  }
0x1e0: {  	[hbm4b:s0+s2] =	stream.linear.scatter [tilespmem:s6], [sflag:$0x2], $0x19000, $0x38;
	[tilespmem:$0x19380] =	vst v63  }
0x1e1: {  	_ =	swait.ge [sflag:s4], $0x19000  }
0x1e2: {  	[sflag:s4] =	ssyncset.done $0x0  }
0x1e3: {  	s0 =	rddreg [dreg:$0xb];
	[sflag:s4] =	ssyncadd.s32 $0xFFFE7000  }
0x1e4: {  	[tilespmem:s2], [sflag:$0x2] =	stream.linear.gather [hbm4b:s0+s2], $0x320, $0x38;
	[tilespmem:$0x19380] =	vst v63  }
0x1e5: {  	_ =	swait.ge [sflag:s4], $0x320  }
0x1e6: {  	[sflag:s4] =	ssyncset.done $0x0  }
0x1e7: {  	[sflag:s4] =	ssyncadd.s32 $0xFFFFFCE0  }
0x1e8: {  	[tilespmem:s6], [sflag:$0x1] =	stream.indirect.gather [hbm4b:s29+s8], $0x80, s2, s8, $0xb8;
	[tilespmem:$0x19380] =	vst v63  }
0x1e9: {  	_ = 	snop  }
0x1ea: {  	[tilespmem:s10], [sflag:$0x1] =	stream.indirect.gather [hbm4b:s29+s8], $0x80, s8, s8, $0xb8;
	[tilespmem:$0x19380] =	vst v63  }
0x1eb: {  	_ = 	snop  }
0x1ec: {  	[tilespmem:s12], [sflag:$0x1] =	stream.indirect.gather [hbm4b:s29+s8], $0x80, s11, s8, $0xb8;
	[tilespmem:$0x19380] =	vst v63  }
0x1ed: {  	_ = 	snop  }
0x1ee: {  	[tilespmem:s14], [sflag:$0x1] =	stream.indirect.gather [hbm4b:s29+s8], $0x80, s13, s8, $0xb8;
	[tilespmem:$0x19380] =	vst v63  }
0x1ef: {  	_ = 	snop  }
0x1f0: {  	[tilespmem:s17], [sflag:$0x1] =	stream.indirect.gather [hbm4b:s29+s8], $0x80, s15, s8, $0xb8;
	[tilespmem:$0x19380] =	vst v63  }
0x1f1: {  	_ = 	snop  }
0x1f2: {  	[tilespmem:s19], [sflag:$0x1] =	stream.indirect.gather [hbm4b:s29+s8], $0x80, s18, s8, $0xb8;
	[tilespmem:$0x19380] =	vst v63  }
0x1f3: {  	_ = 	snop  }
0x1f4: {  	[tilespmem:s21], [sflag:$0x1] =	stream.indirect.gather [hbm4b:s29+s8], $0x80, s20, s8, $0xb8;
	[tilespmem:$0x19380] =	vst v63  }
0x1f5: {  	_ = 	snop  }
0x1f6: {  	[tilespmem:s23], [sflag:$0x1] =	stream.indirect.gather [hbm4b:s29+s8], $0x80, s22, s8, $0xb8;
	[tilespmem:$0x19380] =	vst v63  }
0x1f7: {  	_ = 	snop  }
0x1f8: {  	[tilespmem:s25], [sflag:$0x1] =	stream.indirect.gather [hbm4b:s29+s8], $0x80, s24, s8, $0xb8;
	[tilespmem:$0x19380] =	vst v63  }
0x1f9: {  	_ = 	snop  }
0x1fa: {  	[tilespmem:s28], [sflag:$0x1] =	stream.indirect.gather [hbm4b:s29+s8], $0x80, s26, s8, $0xb8;
	[tilespmem:$0x19380] =	vst v63  }
0x1fb: {  	_ =	swait.ge [sflag:s7], $0x2800  }
0x1fc: {  	[sflag:s7] =	ssyncset.done $0x0  }
0x1fd: {  	[sflag:s7] =	ssyncadd.s32 $0xFFFFD800  }
0x1fe: {  	_ =	swait.ge [sflag:s7], $0x2800  }
0x1ff: {  	[sflag:s7] =	ssyncset.done $0x0  }
0x200: {  	[sflag:s7] =	ssyncadd.s32 $0xFFFFD800  }
0x201: {  	_ =	swait.ge [sflag:s7], $0x2800  }
0x202: {  	[sflag:s7] =	ssyncset.done $0x0  }
0x203: {  	[sflag:s7] =	ssyncadd.s32 $0xFFFFD800  }
0x204: {  	_ =	swait.ge [sflag:s7], $0x2800  }
0x205: {  	[sflag:s7] =	ssyncset.done $0x0  }
0x206: {  	[sflag:s7] =	ssyncadd.s32 $0xFFFFD800  }
0x207: {  	_ =	swait.ge [sflag:s7], $0x2800  }
0x208: {  	[sflag:s7] =	ssyncset.done $0x0  }
0x209: {  	[sflag:s7] =	ssyncadd.s32 $0xFFFFD800  }
0x20a: {  	_ =	swait.ge [sflag:s7], $0x2800  }
0x20b: {  	[sflag:s7] =	ssyncset.done $0x0  }
0x20c: {  	[sflag:s7] =	ssyncadd.s32 $0xFFFFD800  }
0x20d: {  	_ =	swait.ge [sflag:s7], $0x2800  }
0x20e: {  	[sflag:s7] =	ssyncset.done $0x0  }
0x20f: {  	[sflag:s7] =	ssyncadd.s32 $0xFFFFD800  }
0x210: {  	_ =	swait.ge [sflag:s7], $0x2800  }
0x211: {  	[sflag:s7] =	ssyncset.done $0x0  }
0x212: {  	[sflag:s7] =	ssyncadd.s32 $0xFFFFD800  }
0x213: {  	_ =	swait.ge [sflag:s7], $0x2800  }
0x214: {  	[sflag:s7] =	ssyncset.done $0x0  }
0x215: {  	[sflag:s7] =	ssyncadd.s32 $0xFFFFD800  }
0x216: {  	_ =	swait.ge [sflag:s7], $0x2800  }
0x217: {  	[sflag:s7] =	ssyncset.done $0x0  }
0x218: {  	s0 =	rddreg [dreg:$0xc];
	[sflag:s7] =	ssyncadd.s32 $0xFFFFD800  }
0x219: {  	[hbm4b:s0+s2] =	stream.linear.scatter [tilespmem:s6], [sflag:$0x2], $0x19000, $0x38;
	[tilespmem:$0x19380] =	vst v63  }
0x21a: {  	_ =	swait.ge [sflag:s4], $0x19000  }
0x21b: {  	[sflag:s4] =	ssyncset.done $0x0  }
0x21c: {  	s0 =	rddreg [dreg:$0xd];
	[sflag:s4] =	ssyncadd.s32 $0xFFFE7000  }
0x21d: {  	[tilespmem:s2], [sflag:$0x2] =	stream.linear.gather [hbm4b:s0+s2], $0x320, $0x38;
	[tilespmem:$0x19380] =	vst v63  }
0x21e: {  	_ =	swait.ge [sflag:s4], $0x320  }
0x21f: {  	[sflag:s4] =	ssyncset.done $0x0  }
0x220: {  	[sflag:s4] =	ssyncadd.s32 $0xFFFFFCE0  }
0x221: {  	[tilespmem:s6], [sflag:$0x1] =	stream.indirect.gather [hbm4b:s29+s8], $0x80, s2, s8, $0xb8;
	[tilespmem:$0x19380] =	vst v63  }
0x222: {  	_ = 	snop  }
0x223: {  	[tilespmem:s10], [sflag:$0x1] =	stream.indirect.gather [hbm4b:s29+s8], $0x80, s8, s8, $0xb8;
	[tilespmem:$0x19380] =	vst v63  }
0x224: {  	_ = 	snop  }
0x225: {  	[tilespmem:s12], [sflag:$0x1] =	stream.indirect.gather [hbm4b:s29+s8], $0x80, s11, s8, $0xb8;
	[tilespmem:$0x19380] =	vst v63  }
0x226: {  	_ = 	snop  }
0x227: {  	[tilespmem:s14], [sflag:$0x1] =	stream.indirect.gather [hbm4b:s29+s8], $0x80, s13, s8, $0xb8;
	[tilespmem:$0x19380] =	vst v63  }
0x228: {  	_ = 	snop  }
0x229: {  	[tilespmem:s17], [sflag:$0x1] =	stream.indirect.gather [hbm4b:s29+s8], $0x80, s15, s8, $0xb8;
	[tilespmem:$0x19380] =	vst v63  }
0x22a: {  	_ = 	snop  }
0x22b: {  	[tilespmem:s19], [sflag:$0x1] =	stream.indirect.gather [hbm4b:s29+s8], $0x80, s18, s8, $0xb8;
	[tilespmem:$0x19380] =	vst v63  }
0x22c: {  	_ = 	snop  }
0x22d: {  	[tilespmem:s21], [sflag:$0x1] =	stream.indirect.gather [hbm4b:s29+s8], $0x80, s20, s8, $0xb8;
	[tilespmem:$0x19380] =	vst v63  }
0x22e: {  	_ = 	snop  }
0x22f: {  	[tilespmem:s23], [sflag:$0x1] =	stream.indirect.gather [hbm4b:s29+s8], $0x80, s22, s8, $0xb8;
	[tilespmem:$0x19380] =	vst v63  }
0x230: {  	_ = 	snop  }
0x231: {  	[tilespmem:s25], [sflag:$0x1] =	stream.indirect.gather [hbm4b:s29+s8], $0x80, s24, s8, $0xb8;
	[tilespmem:$0x19380] =	vst v63  }
0x232: {  	_ = 	snop  }
0x233: {  	[tilespmem:s28], [sflag:$0x1] =	stream.indirect.gather [hbm4b:s29+s8], $0x80, s26, s8, $0xb8;
	[tilespmem:$0x19380] =	vst v63  }
0x234: {  	_ =	swait.ge [sflag:s7], $0x2800  }
0x235: {  	[sflag:s7] =	ssyncset.done $0x0  }
0x236: {  	[sflag:s7] =	ssyncadd.s32 $0xFFFFD800  }
0x237: {  	_ =	swait.ge [sflag:s7], $0x2800  }
0x238: {  	[sflag:s7] =	ssyncset.done $0x0  }
0x239: {  	[sflag:s7] =	ssyncadd.s32 $0xFFFFD800  }
0x23a: {  	_ =	swait.ge [sflag:s7], $0x2800  }
0x23b: {  	[sflag:s7] =	ssyncset.done $0x0  }
0x23c: {  	[sflag:s7] =	ssyncadd.s32 $0xFFFFD800  }
0x23d: {  	_ =	swait.ge [sflag:s7], $0x2800  }
0x23e: {  	[sflag:s7] =	ssyncset.done $0x0  }
0x23f: {  	[sflag:s7] =	ssyncadd.s32 $0xFFFFD800  }
0x240: {  	_ =	swait.ge [sflag:s7], $0x2800  }
0x241: {  	[sflag:s7] =	ssyncset.done $0x0  }
0x242: {  	[sflag:s7] =	ssyncadd.s32 $0xFFFFD800  }
0x243: {  	_ =	swait.ge [sflag:s7], $0x2800  }
0x244: {  	[sflag:s7] =	ssyncset.done $0x0  }
0x245: {  	[sflag:s7] =	ssyncadd.s32 $0xFFFFD800  }
0x246: {  	_ =	swait.ge [sflag:s7], $0x2800  }
0x247: {  	[sflag:s7] =	ssyncset.done $0x0  }
0x248: {  	[sflag:s7] =	ssyncadd.s32 $0xFFFFD800  }
0x249: {  	_ =	swait.ge [sflag:s7], $0x2800  }
0x24a: {  	[sflag:s7] =	ssyncset.done $0x0  }
0x24b: {  	[sflag:s7] =	ssyncadd.s32 $0xFFFFD800  }
0x24c: {  	_ =	swait.ge [sflag:s7], $0x2800  }
0x24d: {  	[sflag:s7] =	ssyncset.done $0x0  }
0x24e: {  	[sflag:s7] =	ssyncadd.s32 $0xFFFFD800  }
0x24f: {  	_ =	swait.ge [sflag:s7], $0x2800  }
0x250: {  	[sflag:s7] =	ssyncset.done $0x0  }
0x251: {  	[sflag:s7] =	ssyncadd.s32 $0xFFFFD800  }
0x252: {  	[hbm4b:s30+s2] =	stream.linear.scatter [tilespmem:s6], [sflag:$0x2], $0x19000, $0x38;
	[tilespmem:$0x19380] =	vst v63  }
0x253: {  	_ =	swait.ge [sflag:s4], $0x19000  }
0x254: {  	[sflag:s4] =	ssyncset.done $0x0  }
0x255: {  	s0 =	rddreg [dreg:$0x6];
	[sflag:s4] =	ssyncadd.s32 $0xFFFE7000  }
0x256: {  	[tilespmem:s2], [sflag:$0x2] =	stream.linear.gather [hbm4b:s0+s2], $0x320, $0x38;
	[tilespmem:$0x19380] =	vst v63  }
0x257: {  	_ =	swait.ge [sflag:s4], $0x320  }
0x258: {  	[sflag:s4] =	ssyncset.done $0x0  }
0x259: {  	[sflag:s4] =	ssyncadd.s32 $0xFFFFFCE0  }
0x25a: {  	[tilespmem:s6], [sflag:$0x1] =	stream.indirect.gather [hbm4b:s3+s8], $0x80, s2, s8, $0xb8;
	[tilespmem:$0x19380] =	vst v63  }
0x25b: {  	_ = 	snop  }
0x25c: {  	[tilespmem:s10], [sflag:$0x1] =	stream.indirect.gather [hbm4b:s3+s8], $0x80, s8, s8, $0xb8;
	[tilespmem:$0x19380] =	vst v63  }
0x25d: {  	_ = 	snop  }
0x25e: {  	[tilespmem:s12], [sflag:$0x1] =	stream.indirect.gather [hbm4b:s3+s8], $0x80, s11, s8, $0xb8;
	[tilespmem:$0x19380] =	vst v63  }
0x25f: {  	_ = 	snop  }
0x260: {  	[tilespmem:s14], [sflag:$0x1] =	stream.indirect.gather [hbm4b:s3+s8], $0x80, s13, s8, $0xb8;
	[tilespmem:$0x19380] =	vst v63  }
0x261: {  	_ = 	snop  }
0x262: {  	[tilespmem:s17], [sflag:$0x1] =	stream.indirect.gather [hbm4b:s3+s8], $0x80, s15, s8, $0xb8;
	[tilespmem:$0x19380] =	vst v63  }
0x263: {  	_ = 	snop  }
0x264: {  	[tilespmem:s19], [sflag:$0x1] =	stream.indirect.gather [hbm4b:s3+s8], $0x80, s18, s8, $0xb8;
	[tilespmem:$0x19380] =	vst v63  }
0x265: {  	_ = 	snop  }
0x266: {  	[tilespmem:s21], [sflag:$0x1] =	stream.indirect.gather [hbm4b:s3+s8], $0x80, s20, s8, $0xb8;
	[tilespmem:$0x19380] =	vst v63  }
0x267: {  	_ = 	snop  }
0x268: {  	[tilespmem:s23], [sflag:$0x1] =	stream.indirect.gather [hbm4b:s3+s8], $0x80, s22, s8, $0xb8;
	[tilespmem:$0x19380] =	vst v63  }
0x269: {  	_ = 	snop  }
0x26a: {  	[tilespmem:s25], [sflag:$0x1] =	stream.indirect.gather [hbm4b:s3+s8], $0x80, s24, s8, $0xb8;
	[tilespmem:$0x19380] =	vst v63  }
0x26b: {  	_ = 	snop  }
0x26c: {  	[tilespmem:s28], [sflag:$0x1] =	stream.indirect.gather [hbm4b:s3+s8], $0x80, s26, s8, $0xb8;
	[tilespmem:$0x19380] =	vst v63  }
0x26d: {  	_ =	swait.ge [sflag:s7], $0x2800  }
0x26e: {  	[sflag:s7] =	ssyncset.done $0x0  }
0x26f: {  	[sflag:s7] =	ssyncadd.s32 $0xFFFFD800  }
0x270: {  	_ =	swait.ge [sflag:s7], $0x2800  }
0x271: {  	[sflag:s7] =	ssyncset.done $0x0  }
0x272: {  	[sflag:s7] =	ssyncadd.s32 $0xFFFFD800  }
0x273: {  	_ =	swait.ge [sflag:s7], $0x2800  }
0x274: {  	[sflag:s7] =	ssyncset.done $0x0  }
0x275: {  	[sflag:s7] =	ssyncadd.s32 $0xFFFFD800  }
0x276: {  	_ =	swait.ge [sflag:s7], $0x2800  }
0x277: {  	[sflag:s7] =	ssyncset.done $0x0  }
0x278: {  	[sflag:s7] =	ssyncadd.s32 $0xFFFFD800  }
0x279: {  	_ =	swait.ge [sflag:s7], $0x2800  }
0x27a: {  	[sflag:s7] =	ssyncset.done $0x0  }
0x27b: {  	[sflag:s7] =	ssyncadd.s32 $0xFFFFD800  }
0x27c: {  	_ =	swait.ge [sflag:s7], $0x2800  }
0x27d: {  	[sflag:s7] =	ssyncset.done $0x0  }
0x27e: {  	[sflag:s7] =	ssyncadd.s32 $0xFFFFD800  }
0x27f: {  	_ =	swait.ge [sflag:s7], $0x2800  }
0x280: {  	[sflag:s7] =	ssyncset.done $0x0  }
0x281: {  	[sflag:s7] =	ssyncadd.s32 $0xFFFFD800  }
0x282: {  	_ =	swait.ge [sflag:s7], $0x2800  }
0x283: {  	[sflag:s7] =	ssyncset.done $0x0  }
0x284: {  	[sflag:s7] =	ssyncadd.s32 $0xFFFFD800  }
0x285: {  	_ =	swait.ge [sflag:s7], $0x2800  }
0x286: {  	[sflag:s7] =	ssyncset.done $0x0  }
0x287: {  	[sflag:s7] =	ssyncadd.s32 $0xFFFFD800  }
0x288: {  	_ =	swait.ge [sflag:s7], $0x2800  }
0x289: {  	[sflag:s7] =	ssyncset.done $0x0  }
0x28a: {  	[sflag:s7] =	ssyncadd.s32 $0xFFFFD800  }
0x28b: {  	[hbm4b:s16+s2] =	stream.linear.scatter [tilespmem:s6], [sflag:$0x2], $0x19000, $0x38;
	[tilespmem:$0x19380] =	vst v63  }
0x28c: {  	_ =	swait.ge [sflag:s4], $0x19000  }
0x28d: {  	[sflag:s4] =	ssyncset.done $0x0  }
0x28e: {  	[sflag:s4] =	ssyncadd.s32 $0xFFFE7000  }
0x28f: {  	[tilespmem:s2], [sflag:$0x2] =	stream.linear.gather [hbm4b:s9+s2], $0x320, $0x38;
	[tilespmem:$0x19380] =	vst v63  }
0x290: {  	_ =	swait.ge [sflag:s4], $0x320  }
0x291: {  	[sflag:s4] =	ssyncset.done $0x0  }
0x292: {  	[sflag:s4] =	ssyncadd.s32 $0xFFFFFCE0  }
0x293: {  	[tilespmem:s6], [sflag:$0x1] =	stream.indirect.gather [hbm4b:s3+s8], $0x80, s2, s8, $0xb8;
	[tilespmem:$0x19380] =	vst v63  }
0x294: {  	_ = 	snop  }
0x295: {  	[tilespmem:s10], [sflag:$0x1] =	stream.indirect.gather [hbm4b:s3+s8], $0x80, s8, s8, $0xb8;
	[tilespmem:$0x19380] =	vst v63  }
0x296: {  	_ = 	snop  }
0x297: {  	[tilespmem:s12], [sflag:$0x1] =	stream.indirect.gather [hbm4b:s3+s8], $0x80, s11, s8, $0xb8;
	[tilespmem:$0x19380] =	vst v63  }
0x298: {  	_ = 	snop  }
0x299: {  	[tilespmem:s14], [sflag:$0x1] =	stream.indirect.gather [hbm4b:s3+s8], $0x80, s13, s8, $0xb8;
	[tilespmem:$0x19380] =	vst v63  }
0x29a: {  	_ = 	snop  }
0x29b: {  	[tilespmem:s17], [sflag:$0x1] =	stream.indirect.gather [hbm4b:s3+s8], $0x80, s15, s8, $0xb8;
	[tilespmem:$0x19380] =	vst v63  }
0x29c: {  	_ = 	snop  }
0x29d: {  	[tilespmem:s19], [sflag:$0x1] =	stream.indirect.gather [hbm4b:s3+s8], $0x80, s18, s8, $0xb8;
	[tilespmem:$0x19380] =	vst v63  }
0x29e: {  	_ = 	snop  }
0x29f: {  	[tilespmem:s21], [sflag:$0x1] =	stream.indirect.gather [hbm4b:s3+s8], $0x80, s20, s8, $0xb8;
	[tilespmem:$0x19380] =	vst v63  }
0x2a0: {  	_ = 	snop  }
0x2a1: {  	[tilespmem:s23], [sflag:$0x1] =	stream.indirect.gather [hbm4b:s3+s8], $0x80, s22, s8, $0xb8;
	[tilespmem:$0x19380] =	vst v63  }
0x2a2: {  	_ = 	snop  }
0x2a3: {  	[tilespmem:s25], [sflag:$0x1] =	stream.indirect.gather [hbm4b:s3+s8], $0x80, s24, s8, $0xb8;
	[tilespmem:$0x19380] =	vst v63  }
0x2a4: {  	_ = 	snop  }
0x2a5: {  	[tilespmem:s28], [sflag:$0x1] =	stream.indirect.gather [hbm4b:s3+s8], $0x80, s26, s8, $0xb8;
	[tilespmem:$0x19380] =	vst v63  }
0x2a6: {  	_ =	swait.ge [sflag:s7], $0x2800  }
0x2a7: {  	[sflag:s7] =	ssyncset.done $0x0  }
0x2a8: {  	[sflag:s7] =	ssyncadd.s32 $0xFFFFD800  }
0x2a9: {  	_ =	swait.ge [sflag:s7], $0x2800  }
0x2aa: {  	[sflag:s7] =	ssyncset.done $0x0  }
0x2ab: {  	[sflag:s7] =	ssyncadd.s32 $0xFFFFD800  }
0x2ac: {  	_ =	swait.ge [sflag:s7], $0x2800  }
0x2ad: {  	[sflag:s7] =	ssyncset.done $0x0  }
0x2ae: {  	[sflag:s7] =	ssyncadd.s32 $0xFFFFD800  }
0x2af: {  	_ =	swait.ge [sflag:s7], $0x2800  }
0x2b0: {  	[sflag:s7] =	ssyncset.done $0x0  }
0x2b1: {  	[sflag:s7] =	ssyncadd.s32 $0xFFFFD800  }
0x2b2: {  	_ =	swait.ge [sflag:s7], $0x2800  }
0x2b3: {  	[sflag:s7] =	ssyncset.done $0x0  }
0x2b4: {  	[sflag:s7] =	ssyncadd.s32 $0xFFFFD800  }
0x2b5: {  	_ =	swait.ge [sflag:s7], $0x2800  }
0x2b6: {  	[sflag:s7] =	ssyncset.done $0x0  }
0x2b7: {  	[sflag:s7] =	ssyncadd.s32 $0xFFFFD800  }
0x2b8: {  	_ =	swait.ge [sflag:s7], $0x2800  }
0x2b9: {  	[sflag:s7] =	ssyncset.done $0x0  }
0x2ba: {  	[sflag:s7] =	ssyncadd.s32 $0xFFFFD800  }
0x2bb: {  	_ =	swait.ge [sflag:s7], $0x2800  }
0x2bc: {  	[sflag:s7] =	ssyncset.done $0x0  }
0x2bd: {  	[sflag:s7] =	ssyncadd.s32 $0xFFFFD800  }
0x2be: {  	_ =	swait.ge [sflag:s7], $0x2800  }
0x2bf: {  	[sflag:s7] =	ssyncset.done $0x0  }
0x2c0: {  	[sflag:s7] =	ssyncadd.s32 $0xFFFFD800  }
0x2c1: {  	p1 =	sne.s32 s1, $0x1;
	_ =	swait.ge [sflag:s7], $0x2800  }
.Ltmp2:
0x2c2: {  	[sflag:s7] =	ssyncset.done $0x0;
	(pc) =	sbr.rel @p1 .LBB2_2-.Ltmp2, $4  }
0x2c3: {  	[sflag:s7] =	ssyncadd.s32 $0xFFFFD800  }
0x2c4: {  	[hbm4b:s5+s2] =	stream.linear.scatter [tilespmem:s6], [sflag:$0x2], $0x19000, $0x38;
	[tilespmem:$0x19380] =	vst v63  }
0x2c5: {  	_ =	swait.ge [sflag:s4], $0x19000  }
0x2c6: {  	s1 =	sadd.s32 $0xFFFFFFFF, s1;
	s0 =	rddreg [dreg:$0x7];
	[sflag:s4] =	ssyncset.done $0x0  }
.LBB2_3:
0x2c7: {  	[sflag:s4] =	ssyncadd.s32 @p0 $0xFFFE7000  }
0x2c8: {  	[tilespmem:s2], [sflag:$0x2] =	stream.linear.gather [hbm4b:s0+s2], $0x320, $0x38;
	[tilespmem:$0x19380] =	vst v63  }
0x2c9: {  	_ =	swait.ge [sflag:s4], $0x320  }
0x2ca: {  	[sflag:s4] =	ssyncset.done $0x0  }
0x2cb: {  	[sflag:s4] =	ssyncadd.s32 $0xFFFFFCE0  }
0x2cc: {  	[tilespmem:s6], [sflag:$0x1] =	stream.indirect.gather [hbm4b:s31+s8], $0x80, s2, s8, $0xb8;
	[tilespmem:$0x19380] =	vst v63  }
0x2cd: {  	_ = 	snop  }
0x2ce: {  	[tilespmem:s10], [sflag:$0x1] =	stream.indirect.gather [hbm4b:s31+s8], $0x80, s8, s8, $0xb8;
	[tilespmem:$0x19380] =	vst v63  }
0x2cf: {  	_ = 	snop  }
0x2d0: {  	[tilespmem:s12], [sflag:$0x1] =	stream.indirect.gather [hbm4b:s31+s8], $0x80, s11, s8, $0xb8;
	[tilespmem:$0x19380] =	vst v63  }
0x2d1: {  	_ = 	snop  }
0x2d2: {  	[tilespmem:s14], [sflag:$0x1] =	stream.indirect.gather [hbm4b:s31+s8], $0x80, s13, s8, $0xb8;
	[tilespmem:$0x19380] =	vst v63  }
0x2d3: {  	_ = 	snop  }
0x2d4: {  	[tilespmem:s17], [sflag:$0x1] =	stream.indirect.gather [hbm4b:s31+s8], $0x80, s15, s8, $0xb8;
	[tilespmem:$0x19380] =	vst v63  }
0x2d5: {  	_ = 	snop  }
0x2d6: {  	[tilespmem:s19], [sflag:$0x1] =	stream.indirect.gather [hbm4b:s31+s8], $0x80, s18, s8, $0xb8;
	[tilespmem:$0x19380] =	vst v63  }
0x2d7: {  	_ = 	snop  }
0x2d8: {  	[tilespmem:s21], [sflag:$0x1] =	stream.indirect.gather [hbm4b:s31+s8], $0x80, s20, s8, $0xb8;
	[tilespmem:$0x19380] =	vst v63  }
0x2d9: {  	_ = 	snop  }
0x2da: {  	[tilespmem:s23], [sflag:$0x1] =	stream.indirect.gather [hbm4b:s31+s8], $0x80, s22, s8, $0xb8;
	[tilespmem:$0x19380] =	vst v63  }
0x2db: {  	_ = 	snop  }
0x2dc: {  	[tilespmem:s25], [sflag:$0x1] =	stream.indirect.gather [hbm4b:s31+s8], $0x80, s24, s8, $0xb8;
	[tilespmem:$0x19380] =	vst v63  }
0x2dd: {  	_ = 	snop  }
0x2de: {  	[tilespmem:s28], [sflag:$0x1] =	stream.indirect.gather [hbm4b:s31+s8], $0x80, s26, s8, $0xb8;
	[tilespmem:$0x19380] =	vst v63  }
0x2df: {  	_ =	swait.ge [sflag:s7], $0x2800  }
0x2e0: {  	[sflag:s7] =	ssyncset.done $0x0  }
0x2e1: {  	[sflag:s7] =	ssyncadd.s32 $0xFFFFD800  }
0x2e2: {  	_ =	swait.ge [sflag:s7], $0x2800  }
0x2e3: {  	[sflag:s7] =	ssyncset.done $0x0  }
0x2e4: {  	[sflag:s7] =	ssyncadd.s32 $0xFFFFD800  }
0x2e5: {  	_ =	swait.ge [sflag:s7], $0x2800  }
0x2e6: {  	[sflag:s7] =	ssyncset.done $0x0  }
0x2e7: {  	[sflag:s7] =	ssyncadd.s32 $0xFFFFD800  }
0x2e8: {  	_ =	swait.ge [sflag:s7], $0x2800  }
0x2e9: {  	[sflag:s7] =	ssyncset.done $0x0  }
0x2ea: {  	[sflag:s7] =	ssyncadd.s32 $0xFFFFD800  }
0x2eb: {  	_ =	swait.ge [sflag:s7], $0x2800  }
0x2ec: {  	[sflag:s7] =	ssyncset.done $0x0  }
0x2ed: {  	[sflag:s7] =	ssyncadd.s32 $0xFFFFD800  }
0x2ee: {  	_ =	swait.ge [sflag:s7], $0x2800  }
0x2ef: {  	[sflag:s7] =	ssyncset.done $0x0  }
0x2f0: {  	[sflag:s7] =	ssyncadd.s32 $0xFFFFD800  }
0x2f1: {  	_ =	swait.ge [sflag:s7], $0x2800  }
0x2f2: {  	[sflag:s7] =	ssyncset.done $0x0  }
0x2f3: {  	[sflag:s7] =	ssyncadd.s32 $0xFFFFD800  }
0x2f4: {  	_ =	swait.ge [sflag:s7], $0x2800  }
0x2f5: {  	[sflag:s7] =	ssyncset.done $0x0  }
0x2f6: {  	[sflag:s7] =	ssyncadd.s32 $0xFFFFD800  }
0x2f7: {  	_ =	swait.ge [sflag:s7], $0x2800  }
0x2f8: {  	[sflag:s7] =	ssyncset.done $0x0  }
0x2f9: {  	[sflag:s7] =	ssyncadd.s32 $0xFFFFD800  }
0x2fa: {  	_ =	swait.ge [sflag:s7], $0x2800  }
0x2fb: {  	[sflag:s7] =	ssyncset.done $0x0  }
0x2fc: {  	s1 =	rddreg [dreg:$0x8];
	[sflag:s7] =	ssyncadd.s32 $0xFFFFD800  }
0x2fd: {  	[hbm4b:s1+s2] =	stream.linear.scatter [tilespmem:s6], [sflag:$0x2], $0x19000, $0x38;
	[tilespmem:$0x19380] =	vst v63  }
0x2fe: {  	_ =	swait.ge [sflag:s4], $0x19000  }
0x2ff: {  	[sflag:s4] =	ssyncset.done $0x0  }
0x300: {  	s1 =	rddreg [dreg:$0x9];
	[sflag:s4] =	ssyncadd.s32 $0xFFFE7000  }
0x301: {  	[tilespmem:s2], [sflag:$0x2] =	stream.linear.gather [hbm4b:s1+s2], $0x320, $0x38;
	[tilespmem:$0x19380] =	vst v63  }
0x302: {  	_ =	swait.ge [sflag:s4], $0x320  }
0x303: {  	[sflag:s4] =	ssyncset.done $0x0  }
0x304: {  	[sflag:s4] =	ssyncadd.s32 $0xFFFFFCE0  }
0x305: {  	[tilespmem:s6], [sflag:$0x1] =	stream.indirect.gather [hbm4b:s31+s8], $0x80, s2, s8, $0xb8;
	[tilespmem:$0x19380] =	vst v63  }
0x306: {  	_ = 	snop  }
0x307: {  	[tilespmem:s10], [sflag:$0x1] =	stream.indirect.gather [hbm4b:s31+s8], $0x80, s8, s8, $0xb8;
	[tilespmem:$0x19380] =	vst v63  }
0x308: {  	_ = 	snop  }
0x309: {  	[tilespmem:s12], [sflag:$0x1] =	stream.indirect.gather [hbm4b:s31+s8], $0x80, s11, s8, $0xb8;
	[tilespmem:$0x19380] =	vst v63  }
0x30a: {  	_ = 	snop  }
0x30b: {  	[tilespmem:s14], [sflag:$0x1] =	stream.indirect.gather [hbm4b:s31+s8], $0x80, s13, s8, $0xb8;
	[tilespmem:$0x19380] =	vst v63  }
0x30c: {  	_ = 	snop  }
0x30d: {  	[tilespmem:s17], [sflag:$0x1] =	stream.indirect.gather [hbm4b:s31+s8], $0x80, s15, s8, $0xb8;
	[tilespmem:$0x19380] =	vst v63  }
0x30e: {  	_ = 	snop  }
0x30f: {  	[tilespmem:s19], [sflag:$0x1] =	stream.indirect.gather [hbm4b:s31+s8], $0x80, s18, s8, $0xb8;
	[tilespmem:$0x19380] =	vst v63  }
0x310: {  	_ = 	snop  }
0x311: {  	[tilespmem:s21], [sflag:$0x1] =	stream.indirect.gather [hbm4b:s31+s8], $0x80, s20, s8, $0xb8;
	[tilespmem:$0x19380] =	vst v63  }
0x312: {  	_ = 	snop  }
0x313: {  	[tilespmem:s23], [sflag:$0x1] =	stream.indirect.gather [hbm4b:s31+s8], $0x80, s22, s8, $0xb8;
	[tilespmem:$0x19380] =	vst v63  }
0x314: {  	_ = 	snop  }
0x315: {  	[tilespmem:s25], [sflag:$0x1] =	stream.indirect.gather [hbm4b:s31+s8], $0x80, s24, s8, $0xb8;
	[tilespmem:$0x19380] =	vst v63  }
0x316: {  	_ = 	snop  }
0x317: {  	[tilespmem:s28], [sflag:$0x1] =	stream.indirect.gather [hbm4b:s31+s8], $0x80, s26, s8, $0xb8;
	[tilespmem:$0x19380] =	vst v63  }
0x318: {  	_ =	swait.ge [sflag:s7], $0x2800  }
0x319: {  	[sflag:s7] =	ssyncset.done $0x0  }
0x31a: {  	[sflag:s7] =	ssyncadd.s32 $0xFFFFD800  }
0x31b: {  	_ =	swait.ge [sflag:s7], $0x2800  }
0x31c: {  	[sflag:s7] =	ssyncset.done $0x0  }
0x31d: {  	[sflag:s7] =	ssyncadd.s32 $0xFFFFD800  }
0x31e: {  	_ =	swait.ge [sflag:s7], $0x2800  }
0x31f: {  	[sflag:s7] =	ssyncset.done $0x0  }
0x320: {  	[sflag:s7] =	ssyncadd.s32 $0xFFFFD800  }
0x321: {  	_ =	swait.ge [sflag:s7], $0x2800  }
0x322: {  	[sflag:s7] =	ssyncset.done $0x0  }
0x323: {  	[sflag:s7] =	ssyncadd.s32 $0xFFFFD800  }
0x324: {  	_ =	swait.ge [sflag:s7], $0x2800  }
0x325: {  	[sflag:s7] =	ssyncset.done $0x0  }
0x326: {  	[sflag:s7] =	ssyncadd.s32 $0xFFFFD800  }
0x327: {  	_ =	swait.ge [sflag:s7], $0x2800  }
0x328: {  	[sflag:s7] =	ssyncset.done $0x0  }
0x329: {  	[sflag:s7] =	ssyncadd.s32 $0xFFFFD800  }
0x32a: {  	_ =	swait.ge [sflag:s7], $0x2800  }
0x32b: {  	[sflag:s7] =	ssyncset.done $0x0  }
0x32c: {  	[sflag:s7] =	ssyncadd.s32 $0xFFFFD800  }
0x32d: {  	_ =	swait.ge [sflag:s7], $0x2800  }
0x32e: {  	[sflag:s7] =	ssyncset.done $0x0  }
0x32f: {  	[sflag:s7] =	ssyncadd.s32 $0xFFFFD800  }
0x330: {  	_ =	swait.ge [sflag:s7], $0x2800  }
0x331: {  	[sflag:s7] =	ssyncset.done $0x0  }
0x332: {  	[sflag:s7] =	ssyncadd.s32 $0xFFFFD800  }
0x333: {  	_ =	swait.ge [sflag:s7], $0x2800  }
0x334: {  	[sflag:s7] =	ssyncset.done $0x0  }
0x335: {  	s31 =	rddreg [dreg:$0xa];
	[sflag:s7] =	ssyncadd.s32 $0xFFFFD800  }
0x336: {  	[hbm4b:s31+s2] =	stream.linear.scatter [tilespmem:s6], [sflag:$0x2], $0x19000, $0x38;
	[tilespmem:$0x19380] =	vst v63  }
0x337: {  	_ =	swait.ge [sflag:s4], $0x19000  }
0x338: {  	[sflag:s4] =	ssyncset.done $0x0  }
0x339: {  	s1 =	rddreg [dreg:$0xb];
	[sflag:s4] =	ssyncadd.s32 $0xFFFE7000  }
0x33a: {  	[tilespmem:s2], [sflag:$0x2] =	stream.linear.gather [hbm4b:s1+s2], $0x320, $0x38;
	[tilespmem:$0x19380] =	vst v63  }
0x33b: {  	_ =	swait.ge [sflag:s4], $0x320  }
0x33c: {  	[sflag:s4] =	ssyncset.done $0x0  }
0x33d: {  	[sflag:s4] =	ssyncadd.s32 $0xFFFFFCE0  }
0x33e: {  	[tilespmem:s6], [sflag:$0x1] =	stream.indirect.gather [hbm4b:s29+s8], $0x80, s2, s8, $0xb8;
	[tilespmem:$0x19380] =	vst v63  }
0x33f: {  	_ = 	snop  }
0x340: {  	[tilespmem:s10], [sflag:$0x1] =	stream.indirect.gather [hbm4b:s29+s8], $0x80, s8, s8, $0xb8;
	[tilespmem:$0x19380] =	vst v63  }
0x341: {  	_ = 	snop  }
0x342: {  	[tilespmem:s12], [sflag:$0x1] =	stream.indirect.gather [hbm4b:s29+s8], $0x80, s11, s8, $0xb8;
	[tilespmem:$0x19380] =	vst v63  }
0x343: {  	_ = 	snop  }
0x344: {  	[tilespmem:s14], [sflag:$0x1] =	stream.indirect.gather [hbm4b:s29+s8], $0x80, s13, s8, $0xb8;
	[tilespmem:$0x19380] =	vst v63  }
0x345: {  	_ = 	snop  }
0x346: {  	[tilespmem:s17], [sflag:$0x1] =	stream.indirect.gather [hbm4b:s29+s8], $0x80, s15, s8, $0xb8;
	[tilespmem:$0x19380] =	vst v63  }
0x347: {  	_ = 	snop  }
0x348: {  	[tilespmem:s19], [sflag:$0x1] =	stream.indirect.gather [hbm4b:s29+s8], $0x80, s18, s8, $0xb8;
	[tilespmem:$0x19380] =	vst v63  }
0x349: {  	_ = 	snop  }
0x34a: {  	[tilespmem:s21], [sflag:$0x1] =	stream.indirect.gather [hbm4b:s29+s8], $0x80, s20, s8, $0xb8;
	[tilespmem:$0x19380] =	vst v63  }
0x34b: {  	_ = 	snop  }
0x34c: {  	[tilespmem:s23], [sflag:$0x1] =	stream.indirect.gather [hbm4b:s29+s8], $0x80, s22, s8, $0xb8;
	[tilespmem:$0x19380] =	vst v63  }
0x34d: {  	_ = 	snop  }
0x34e: {  	[tilespmem:s25], [sflag:$0x1] =	stream.indirect.gather [hbm4b:s29+s8], $0x80, s24, s8, $0xb8;
	[tilespmem:$0x19380] =	vst v63  }
0x34f: {  	_ = 	snop  }
0x350: {  	[tilespmem:s28], [sflag:$0x1] =	stream.indirect.gather [hbm4b:s29+s8], $0x80, s26, s8, $0xb8;
	[tilespmem:$0x19380] =	vst v63  }
0x351: {  	_ =	swait.ge [sflag:s7], $0x2800  }
0x352: {  	[sflag:s7] =	ssyncset.done $0x0  }
0x353: {  	[sflag:s7] =	ssyncadd.s32 $0xFFFFD800  }
0x354: {  	_ =	swait.ge [sflag:s7], $0x2800  }
0x355: {  	[sflag:s7] =	ssyncset.done $0x0  }
0x356: {  	[sflag:s7] =	ssyncadd.s32 $0xFFFFD800  }
0x357: {  	_ =	swait.ge [sflag:s7], $0x2800  }
0x358: {  	[sflag:s7] =	ssyncset.done $0x0  }
0x359: {  	[sflag:s7] =	ssyncadd.s32 $0xFFFFD800  }
0x35a: {  	_ =	swait.ge [sflag:s7], $0x2800  }
0x35b: {  	[sflag:s7] =	ssyncset.done $0x0  }
0x35c: {  	[sflag:s7] =	ssyncadd.s32 $0xFFFFD800  }
0x35d: {  	_ =	swait.ge [sflag:s7], $0x2800  }
0x35e: {  	[sflag:s7] =	ssyncset.done $0x0  }
0x35f: {  	[sflag:s7] =	ssyncadd.s32 $0xFFFFD800  }
0x360: {  	_ =	swait.ge [sflag:s7], $0x2800  }
0x361: {  	[sflag:s7] =	ssyncset.done $0x0  }
0x362: {  	[sflag:s7] =	ssyncadd.s32 $0xFFFFD800  }
0x363: {  	_ =	swait.ge [sflag:s7], $0x2800  }
0x364: {  	[sflag:s7] =	ssyncset.done $0x0  }
0x365: {  	[sflag:s7] =	ssyncadd.s32 $0xFFFFD800  }
0x366: {  	_ =	swait.ge [sflag:s7], $0x2800  }
0x367: {  	[sflag:s7] =	ssyncset.done $0x0  }
0x368: {  	[sflag:s7] =	ssyncadd.s32 $0xFFFFD800  }
0x369: {  	_ =	swait.ge [sflag:s7], $0x2800  }
0x36a: {  	[sflag:s7] =	ssyncset.done $0x0  }
0x36b: {  	[sflag:s7] =	ssyncadd.s32 $0xFFFFD800  }
0x36c: {  	_ =	swait.ge [sflag:s7], $0x2800  }
0x36d: {  	[sflag:s7] =	ssyncset.done $0x0  }
0x36e: {  	s31 =	rddreg [dreg:$0xc];
	[sflag:s7] =	ssyncadd.s32 $0xFFFFD800  }
0x36f: {  	[hbm4b:s31+s2] =	stream.linear.scatter [tilespmem:s6], [sflag:$0x2], $0x19000, $0x38;
	[tilespmem:$0x19380] =	vst v63  }
0x370: {  	_ =	swait.ge [sflag:s4], $0x19000  }
0x371: {  	[sflag:s4] =	ssyncset.done $0x0  }
0x372: {  	s1 =	rddreg [dreg:$0xd];
	[sflag:s4] =	ssyncadd.s32 $0xFFFE7000  }
0x373: {  	[tilespmem:s2], [sflag:$0x2] =	stream.linear.gather [hbm4b:s1+s2], $0x320, $0x38;
	[tilespmem:$0x19380] =	vst v63  }
0x374: {  	_ =	swait.ge [sflag:s4], $0x320  }
0x375: {  	[sflag:s4] =	ssyncset.done $0x0  }
0x376: {  	[sflag:s4] =	ssyncadd.s32 $0xFFFFFCE0  }
0x377: {  	[tilespmem:s6], [sflag:$0x1] =	stream.indirect.gather [hbm4b:s29+s8], $0x80, s2, s8, $0xb8;
	[tilespmem:$0x19380] =	vst v63  }
0x378: {  	_ = 	snop  }
0x379: {  	[tilespmem:s10], [sflag:$0x1] =	stream.indirect.gather [hbm4b:s29+s8], $0x80, s8, s8, $0xb8;
	[tilespmem:$0x19380] =	vst v63  }
0x37a: {  	_ = 	snop  }
0x37b: {  	[tilespmem:s12], [sflag:$0x1] =	stream.indirect.gather [hbm4b:s29+s8], $0x80, s11, s8, $0xb8;
	[tilespmem:$0x19380] =	vst v63  }
0x37c: {  	_ = 	snop  }
0x37d: {  	[tilespmem:s14], [sflag:$0x1] =	stream.indirect.gather [hbm4b:s29+s8], $0x80, s13, s8, $0xb8;
	[tilespmem:$0x19380] =	vst v63  }
0x37e: {  	_ = 	snop  }
0x37f: {  	[tilespmem:s17], [sflag:$0x1] =	stream.indirect.gather [hbm4b:s29+s8], $0x80, s15, s8, $0xb8;
	[tilespmem:$0x19380] =	vst v63  }
0x380: {  	_ = 	snop  }
0x381: {  	[tilespmem:s19], [sflag:$0x1] =	stream.indirect.gather [hbm4b:s29+s8], $0x80, s18, s8, $0xb8;
	[tilespmem:$0x19380] =	vst v63  }
0x382: {  	_ = 	snop  }
0x383: {  	[tilespmem:s21], [sflag:$0x1] =	stream.indirect.gather [hbm4b:s29+s8], $0x80, s20, s8, $0xb8;
	[tilespmem:$0x19380] =	vst v63  }
0x384: {  	_ = 	snop  }
0x385: {  	[tilespmem:s23], [sflag:$0x1] =	stream.indirect.gather [hbm4b:s29+s8], $0x80, s22, s8, $0xb8;
	[tilespmem:$0x19380] =	vst v63  }
0x386: {  	_ = 	snop  }
0x387: {  	[tilespmem:s25], [sflag:$0x1] =	stream.indirect.gather [hbm4b:s29+s8], $0x80, s24, s8, $0xb8;
	[tilespmem:$0x19380] =	vst v63  }
0x388: {  	_ = 	snop  }
0x389: {  	[tilespmem:s28], [sflag:$0x1] =	stream.indirect.gather [hbm4b:s29+s8], $0x80, s26, s8, $0xb8;
	[tilespmem:$0x19380] =	vst v63  }
0x38a: {  	_ =	swait.ge [sflag:s7], $0x2800  }
0x38b: {  	[sflag:s7] =	ssyncset.done $0x0  }
0x38c: {  	[sflag:s7] =	ssyncadd.s32 $0xFFFFD800  }
0x38d: {  	_ =	swait.ge [sflag:s7], $0x2800  }
0x38e: {  	[sflag:s7] =	ssyncset.done $0x0  }
0x38f: {  	[sflag:s7] =	ssyncadd.s32 $0xFFFFD800  }
0x390: {  	_ =	swait.ge [sflag:s7], $0x2800  }
0x391: {  	[sflag:s7] =	ssyncset.done $0x0  }
0x392: {  	[sflag:s7] =	ssyncadd.s32 $0xFFFFD800  }
0x393: {  	_ =	swait.ge [sflag:s7], $0x2800  }
0x394: {  	[sflag:s7] =	ssyncset.done $0x0  }
0x395: {  	[sflag:s7] =	ssyncadd.s32 $0xFFFFD800  }
0x396: {  	_ =	swait.ge [sflag:s7], $0x2800  }
0x397: {  	[sflag:s7] =	ssyncset.done $0x0  }
0x398: {  	[sflag:s7] =	ssyncadd.s32 $0xFFFFD800  }
0x399: {  	_ =	swait.ge [sflag:s7], $0x2800  }
0x39a: {  	[sflag:s7] =	ssyncset.done $0x0  }
0x39b: {  	[sflag:s7] =	ssyncadd.s32 $0xFFFFD800  }
0x39c: {  	_ =	swait.ge [sflag:s7], $0x2800  }
0x39d: {  	[sflag:s7] =	ssyncset.done $0x0  }
0x39e: {  	[sflag:s7] =	ssyncadd.s32 $0xFFFFD800  }
0x39f: {  	_ =	swait.ge [sflag:s7], $0x2800  }
0x3a0: {  	[sflag:s7] =	ssyncset.done $0x0  }
0x3a1: {  	[sflag:s7] =	ssyncadd.s32 $0xFFFFD800  }
0x3a2: {  	_ =	swait.ge [sflag:s7], $0x2800  }
0x3a3: {  	[sflag:s7] =	ssyncset.done $0x0  }
0x3a4: {  	[sflag:s7] =	ssyncadd.s32 $0xFFFFD800  }
0x3a5: {  	_ =	swait.ge [sflag:s7], $0x2800  }
0x3a6: {  	[sflag:s7] =	ssyncset.done $0x0  }
0x3a7: {  	[sflag:s7] =	ssyncadd.s32 $0xFFFFD800  }
0x3a8: {  	[hbm4b:s30+s2] =	stream.linear.scatter [tilespmem:s6], [sflag:$0x2], $0x19000, $0x38;
	[tilespmem:$0x19380] =	vst v63  }
0x3a9: {  	_ =	swait.ge [sflag:s4], $0x19000  }
0x3aa: {  	[sflag:s4] =	ssyncset.done $0x0  }
0x3ab: {  	s30 =	rddreg [dreg:$0x6];
	[sflag:s4] =	ssyncadd.s32 $0xFFFE7000  }
0x3ac: {  	[tilespmem:s2], [sflag:$0x2] =	stream.linear.gather [hbm4b:s30+s2], $0x320, $0x38;
	[tilespmem:$0x19380] =	vst v63  }
0x3ad: {  	_ =	swait.ge [sflag:s4], $0x320  }
0x3ae: {  	[sflag:s4] =	ssyncset.done $0x0  }
0x3af: {  	[sflag:s4] =	ssyncadd.s32 $0xFFFFFCE0  }
0x3b0: {  	[tilespmem:s6], [sflag:$0x1] =	stream.indirect.gather [hbm4b:s3+s8], $0x80, s2, s8, $0xb8;
	[tilespmem:$0x19380] =	vst v63  }
0x3b1: {  	_ = 	snop  }
0x3b2: {  	[tilespmem:s10], [sflag:$0x1] =	stream.indirect.gather [hbm4b:s3+s8], $0x80, s8, s8, $0xb8;
	[tilespmem:$0x19380] =	vst v63  }
0x3b3: {  	_ = 	snop  }
0x3b4: {  	[tilespmem:s12], [sflag:$0x1] =	stream.indirect.gather [hbm4b:s3+s8], $0x80, s11, s8, $0xb8;
	[tilespmem:$0x19380] =	vst v63  }
0x3b5: {  	_ = 	snop  }
0x3b6: {  	[tilespmem:s14], [sflag:$0x1] =	stream.indirect.gather [hbm4b:s3+s8], $0x80, s13, s8, $0xb8;
	[tilespmem:$0x19380] =	vst v63  }
0x3b7: {  	_ = 	snop  }
0x3b8: {  	[tilespmem:s17], [sflag:$0x1] =	stream.indirect.gather [hbm4b:s3+s8], $0x80, s15, s8, $0xb8;
	[tilespmem:$0x19380] =	vst v63  }
0x3b9: {  	_ = 	snop  }
0x3ba: {  	[tilespmem:s19], [sflag:$0x1] =	stream.indirect.gather [hbm4b:s3+s8], $0x80, s18, s8, $0xb8;
	[tilespmem:$0x19380] =	vst v63  }
0x3bb: {  	_ = 	snop  }
0x3bc: {  	[tilespmem:s21], [sflag:$0x1] =	stream.indirect.gather [hbm4b:s3+s8], $0x80, s20, s8, $0xb8;
	[tilespmem:$0x19380] =	vst v63  }
0x3bd: {  	_ = 	snop  }
0x3be: {  	[tilespmem:s23], [sflag:$0x1] =	stream.indirect.gather [hbm4b:s3+s8], $0x80, s22, s8, $0xb8;
	[tilespmem:$0x19380] =	vst v63  }
0x3bf: {  	_ = 	snop  }
0x3c0: {  	[tilespmem:s25], [sflag:$0x1] =	stream.indirect.gather [hbm4b:s3+s8], $0x80, s24, s8, $0xb8;
	[tilespmem:$0x19380] =	vst v63  }
0x3c1: {  	_ = 	snop  }
0x3c2: {  	[tilespmem:s28], [sflag:$0x1] =	stream.indirect.gather [hbm4b:s3+s8], $0x80, s26, s8, $0xb8;
	[tilespmem:$0x19380] =	vst v63  }
0x3c3: {  	_ =	swait.ge [sflag:s7], $0x2800  }
0x3c4: {  	[sflag:s7] =	ssyncset.done $0x0  }
0x3c5: {  	[sflag:s7] =	ssyncadd.s32 $0xFFFFD800  }
0x3c6: {  	_ =	swait.ge [sflag:s7], $0x2800  }
0x3c7: {  	[sflag:s7] =	ssyncset.done $0x0  }
0x3c8: {  	[sflag:s7] =	ssyncadd.s32 $0xFFFFD800  }
0x3c9: {  	_ =	swait.ge [sflag:s7], $0x2800  }
0x3ca: {  	[sflag:s7] =	ssyncset.done $0x0  }
0x3cb: {  	[sflag:s7] =	ssyncadd.s32 $0xFFFFD800  }
0x3cc: {  	_ =	swait.ge [sflag:s7], $0x2800  }
0x3cd: {  	[sflag:s7] =	ssyncset.done $0x0  }
0x3ce: {  	[sflag:s7] =	ssyncadd.s32 $0xFFFFD800  }
0x3cf: {  	_ =	swait.ge [sflag:s7], $0x2800  }
0x3d0: {  	[sflag:s7] =	ssyncset.done $0x0  }
0x3d1: {  	[sflag:s7] =	ssyncadd.s32 $0xFFFFD800  }
0x3d2: {  	_ =	swait.ge [sflag:s7], $0x2800  }
0x3d3: {  	[sflag:s7] =	ssyncset.done $0x0  }
0x3d4: {  	[sflag:s7] =	ssyncadd.s32 $0xFFFFD800  }
0x3d5: {  	_ =	swait.ge [sflag:s7], $0x2800  }
0x3d6: {  	[sflag:s7] =	ssyncset.done $0x0  }
0x3d7: {  	[sflag:s7] =	ssyncadd.s32 $0xFFFFD800  }
0x3d8: {  	_ =	swait.ge [sflag:s7], $0x2800  }
0x3d9: {  	[sflag:s7] =	ssyncset.done $0x0  }
0x3da: {  	[sflag:s7] =	ssyncadd.s32 $0xFFFFD800  }
0x3db: {  	_ =	swait.ge [sflag:s7], $0x2800  }
0x3dc: {  	[sflag:s7] =	ssyncset.done $0x0  }
0x3dd: {  	[sflag:s7] =	ssyncadd.s32 $0xFFFFD800  }
0x3de: {  	_ =	swait.ge [sflag:s7], $0x2800  }
0x3df: {  	[sflag:s7] =	ssyncset.done $0x0  }
0x3e0: {  	[sflag:s7] =	ssyncadd.s32 $0xFFFFD800  }
0x3e1: {  	[hbm4b:s16+s2] =	stream.linear.scatter [tilespmem:s6], [sflag:$0x2], $0x19000, $0x38;
	[tilespmem:$0x19380] =	vst v63  }
0x3e2: {  	_ =	swait.ge [sflag:s4], $0x19000  }
0x3e3: {  	[sflag:s4] =	ssyncset.done $0x0  }
0x3e4: {  	[sflag:s4] =	ssyncadd.s32 $0xFFFE7000  }
0x3e5: {  	[tilespmem:s2], [sflag:$0x2] =	stream.linear.gather [hbm4b:s9+s2], $0x320, $0x38;
	[tilespmem:$0x19380] =	vst v63  }
0x3e6: {  	_ =	swait.ge [sflag:s4], $0x320  }
0x3e7: {  	[sflag:s4] =	ssyncset.done $0x0  }
0x3e8: {  	[sflag:s4] =	ssyncadd.s32 $0xFFFFFCE0  }
0x3e9: {  	[tilespmem:s6], [sflag:$0x1] =	stream.indirect.gather [hbm4b:s3+s8], $0x80, s2, s8, $0xb8;
	[tilespmem:$0x19380] =	vst v63  }
0x3ea: {  	_ = 	snop  }
0x3eb: {  	[tilespmem:s10], [sflag:$0x1] =	stream.indirect.gather [hbm4b:s3+s8], $0x80, s8, s8, $0xb8;
	[tilespmem:$0x19380] =	vst v63  }
0x3ec: {  	_ = 	snop  }
0x3ed: {  	[tilespmem:s12], [sflag:$0x1] =	stream.indirect.gather [hbm4b:s3+s8], $0x80, s11, s8, $0xb8;
	[tilespmem:$0x19380] =	vst v63  }
0x3ee: {  	_ = 	snop  }
0x3ef: {  	[tilespmem:s14], [sflag:$0x1] =	stream.indirect.gather [hbm4b:s3+s8], $0x80, s13, s8, $0xb8;
	[tilespmem:$0x19380] =	vst v63  }
0x3f0: {  	_ = 	snop  }
0x3f1: {  	[tilespmem:s17], [sflag:$0x1] =	stream.indirect.gather [hbm4b:s3+s8], $0x80, s15, s8, $0xb8;
	[tilespmem:$0x19380] =	vst v63  }
0x3f2: {  	_ = 	snop  }
0x3f3: {  	[tilespmem:s19], [sflag:$0x1] =	stream.indirect.gather [hbm4b:s3+s8], $0x80, s18, s8, $0xb8;
	[tilespmem:$0x19380] =	vst v63  }
0x3f4: {  	_ = 	snop  }
0x3f5: {  	[tilespmem:s21], [sflag:$0x1] =	stream.indirect.gather [hbm4b:s3+s8], $0x80, s20, s8, $0xb8;
	[tilespmem:$0x19380] =	vst v63  }
0x3f6: {  	_ = 	snop  }
0x3f7: {  	[tilespmem:s23], [sflag:$0x1] =	stream.indirect.gather [hbm4b:s3+s8], $0x80, s22, s8, $0xb8;
	[tilespmem:$0x19380] =	vst v63  }
0x3f8: {  	_ = 	snop  }
0x3f9: {  	[tilespmem:s25], [sflag:$0x1] =	stream.indirect.gather [hbm4b:s3+s8], $0x80, s24, s8, $0xb8;
	[tilespmem:$0x19380] =	vst v63  }
0x3fa: {  	_ = 	snop  }
0x3fb: {  	[tilespmem:s28], [sflag:$0x1] =	stream.indirect.gather [hbm4b:s3+s8], $0x80, s26, s8, $0xb8;
	[tilespmem:$0x19380] =	vst v63  }
0x3fc: {  	_ =	swait.ge [sflag:s7], $0x2800  }
0x3fd: {  	[sflag:s7] =	ssyncset.done $0x0  }
0x3fe: {  	[sflag:s7] =	ssyncadd.s32 $0xFFFFD800  }
0x3ff: {  	_ =	swait.ge [sflag:s7], $0x2800  }
0x400: {  	[sflag:s7] =	ssyncset.done $0x0  }
0x401: {  	[sflag:s7] =	ssyncadd.s32 $0xFFFFD800  }
0x402: {  	_ =	swait.ge [sflag:s7], $0x2800  }
0x403: {  	[sflag:s7] =	ssyncset.done $0x0  }
0x404: {  	[sflag:s7] =	ssyncadd.s32 $0xFFFFD800  }
0x405: {  	_ =	swait.ge [sflag:s7], $0x2800  }
0x406: {  	[sflag:s7] =	ssyncset.done $0x0  }
0x407: {  	[sflag:s7] =	ssyncadd.s32 $0xFFFFD800  }
0x408: {  	_ =	swait.ge [sflag:s7], $0x2800  }
0x409: {  	[sflag:s7] =	ssyncset.done $0x0  }
0x40a: {  	[sflag:s7] =	ssyncadd.s32 $0xFFFFD800  }
0x40b: {  	_ =	swait.ge [sflag:s7], $0x2800  }
0x40c: {  	[sflag:s7] =	ssyncset.done $0x0  }
0x40d: {  	[sflag:s7] =	ssyncadd.s32 $0xFFFFD800  }
0x40e: {  	_ =	swait.ge [sflag:s7], $0x2800  }
0x40f: {  	[sflag:s7] =	ssyncset.done $0x0  }
0x410: {  	[sflag:s7] =	ssyncadd.s32 $0xFFFFD800  }
0x411: {  	_ =	swait.ge [sflag:s7], $0x2800  }
0x412: {  	[sflag:s7] =	ssyncset.done $0x0  }
0x413: {  	[sflag:s7] =	ssyncadd.s32 $0xFFFFD800  }
0x414: {  	_ =	swait.ge [sflag:s7], $0x2800  }
0x415: {  	[sflag:s7] =	ssyncset.done $0x0  }
0x416: {  	[sflag:s7] =	ssyncadd.s32 $0xFFFFD800  }
0x417: {  	_ =	swait.ge [sflag:s7], $0x2800  }
0x418: {  	[sflag:s7] =	ssyncset.done $0x0  }
0x419: {  	[sflag:s7] =	ssyncadd.s32 $0xFFFFD800  }
0x41a: {  	[hbm4b:s5+s2] =	stream.linear.scatter [tilespmem:s6], [sflag:$0x2], $0x19000, $0x38;
	[tilespmem:$0x19380] =	vst v63  }
0x41b: {  	_ =	swait.ge [sflag:s4], $0x19000  }
0x41c: {  	[sflag:s4] =	ssyncset.done $0x0  }
0x41d: {  	[sflag:s4] =	ssyncadd.s32 $0xFFFE7000  }
0x41e: {  	_ =	sfence.sel $0x180000  }
0x41f: {  	[bflag:$0x0] =	sbarrier.arrive $0xFFFF  }
0x420: {  	_ =	strace $0x90000047  }
0x421: {  	s31 =	stileid.u32;
	[bflag:$0x2] =	sbarrier.arrive $0xFFFF  }
0x422: {  	p0 =	sne.s32 s31, $0x0;
	s0 =	rddreg [dreg:$0x5]  }
0x423: {  	s0 =	sadd.s32 @!p0 $0x100000, s0  }
0x424: {  	[sflag:s0] =	ssyncadd.tile.s32 @!p0 $0x1;
	_ =	shalt  }
.Lfunc_end2:
_tile_overlayer_lowered:
.L_overlay_start_2:
0x425: {  	(tag) =	ssettag $0x2  }
0x426: {  	s0 =	rddreg [dreg:$0x0];
	s2 =	stileid.u32  }
0x427: {  	s1 =	rddreg [dreg:$0x1];
	p0 =	sne.s32 s2, $0x0  }
0x428: {  	s3 =	rddreg [dreg:$0x2];
	[bflag:$0x3] =	sbarrier.arrive $0xFFFF;
	s2 =	simm.s32 @!p0 $0x1C02  }
0x429: {  	[timem:s3], [sflag:s2] =	dma.local @!p0 [hbm:s0], s1  }
0x42a: {  	s0 =	simm.s32 @!p0 $0x2  }
0x42b: {  	_ =	swait.ge @!p0 [sflag:s0], s1  }
0x42c: {  	s1 =	ssub.s32 @!p0 $0x0, s1;
	[sflag:s0] =	ssyncset.done @!p0 $0x0  }
0x42d: {  	[sflag:s0] =	ssyncadd.s32 @!p0 s1  }
0x42e: {  	[bflag:$0x3] =	sbarrier.arrive $0xFFFF  }
0x42f: {  	_ =	shalt  }

</sc_bundles>
